<compile_context>
chip_gen: v7x
topology: tpu7x:2x2x1
jax: 0.10.2.dev20260603
libtpu: 0.0.44.dev20260713+nightly
codegen_flags: <defaults>
</compile_context>

<pallas_src>
import functools
import jax
import jax.numpy as jnp
from jax import lax
from jax.experimental import pallas as pl
from jax.experimental.pallas import tpu as pltpu
from jax.experimental.pallas import tpu_sc as plsc

M, B, D, C = 8, 16384, 128, 10
CP = 16

NC, NS, L = 2, 16, 16
NW = NC * NS
S = B // NW
RPT = S * C // 128


def _tc_votes_body(x_ref, w_ref, b_ref, votes_ref, w4_s):
    bs = x_ref.shape[0]

    @pl.when(pl.program_id(0) == 0)
    def _pack():
        w4_s[:] = jnp.concatenate([w_ref[m].T for m in range(M)], axis=0)

    xT = x_ref[:].T
    logitsT = jnp.dot(w4_s[:], xT, preferred_element_type=jnp.float32)
    l3 = logitsT.reshape(M, CP, bs)[:, :C, :]
    l3 = l3 + b_ref[:][:, :, None]
    mx = jnp.max(l3, axis=1, keepdims=True)
    iota = lax.broadcasted_iota(jnp.int32, (M, C, bs), 1)
    cand = jnp.where(l3 >= mx, iota, C)
    votes_ref[:] = jnp.min(cand, axis=1)


def _sc_hist_body(votes_hbm, out_hbm, votes_v, counts_v, sem):
    wid = lax.axis_index("s") * NC + lax.axis_index("c")
    base = wid * S
    pltpu.sync_copy(votes_hbm.at[:, pl.ds(base, S)], votes_v)

    ones = jnp.ones((L,), jnp.float32)
    zerosf = jnp.zeros((L,), jnp.float32)
    lane = lax.iota(jnp.int32, L)

    def hist_body(i, carry):
        sbase = i * L
        samp = lane + sbase
        for c in range(C):
            plsc.store_scatter(counts_v, [samp, jnp.full((L,), c, jnp.int32)],
                               zerosf)
        for m in range(M):
            v = votes_v[m, pl.ds(sbase, L)]
            plsc.addupdate_scatter(counts_v, [samp, v], ones)
        return carry

    NCHUNK = 4
    CH = S // NCHUNK
    copies = []
    for k in range(NCHUNK):
        lax.fori_loop(k * (CH // L), (k + 1) * (CH // L), hist_body, 0)
        copies.append(pltpu.async_copy(
            counts_v.at[pl.ds(k * CH, CH)],
            out_hbm.at[pl.ds(base + k * CH, CH)], sem))
    for cp in copies:
        cp.wait()


def kernel(x, W, b):
    Wp = jnp.pad(W, ((0, 0), (0, 0), (0, CP - C)))
    bs = 4096
    votes = pl.pallas_call(
        _tc_votes_body,
        grid=(B // bs,),
        in_specs=[
            pl.BlockSpec((bs, D), lambda i: (i, 0)),
            pl.BlockSpec((M, D, CP), lambda i: (0, 0, 0)),
            pl.BlockSpec((M, C), lambda i: (0, 0)),
        ],
        out_specs=pl.BlockSpec((M, bs), lambda i: (0, i)),
        out_shape=jax.ShapeDtypeStruct((M, B), jnp.int32),
        scratch_shapes=[pltpu.VMEM((M * CP, D), jnp.float32)],
    )(x, Wp, b)

    mesh = plsc.VectorSubcoreMesh(core_axis_name="c", subcore_axis_name="s")
    sc_hist = functools.partial(
        pl.kernel,
        mesh=mesh,
        compiler_params=pltpu.CompilerParams(
            needs_layout_passes=False, skip_device_barrier=True,
            disable_semaphore_checks=True),
        out_type=jax.ShapeDtypeStruct((B, C), jnp.float32),
        scratch_types=[
            pltpu.VMEM((M, S), jnp.int32),
            pltpu.VMEM((S, C), jnp.float32),
            pltpu.SemaphoreType.DMA,
        ],
    )(_sc_hist_body)
    return sc_hist(votes)

# --- scband reference (transcript-rebuilt; emitter-appended) ---
"""Pipeline reference for scband-committee-90640989814919 (READ-ONLY COPY).

The authoritative reference and input builder live on the scoring server;
editing this copy changes nothing except your own understanding.
"""

import jax, jax.numpy as jnp
import numpy as np

M, B, D, C = 8, 16384, 128, 10


def setup_inputs(seed: int = 0) -> dict:
    key = jax.random.key(seed)
    k1, k2, k3 = jax.random.split(key, 3)
    x = jax.random.normal(k1, (B, D), dtype=jnp.float32)
    # committee member parameters: M independent Linear(D, C) layers
    W = jax.random.normal(k2, (M, D, C), dtype=jnp.float32) * 0.05
    b = jax.random.normal(k3, (M, C), dtype=jnp.float32) * 0.05
    return {"x": x, "W": W, "b": b}


def reference(x, W, b):
    # each model: logits = x @ W_m + b_m  -> argmax over classes
    logits = jnp.einsum('bd,mdc->mbc', x, W) + b[:, None, :]  # [M, B, C]
    preds = jnp.argmax(logits, axis=2)  # [M, B], int votes per model per sample
    # per-sample histogram of committee votes (bincount with minlength=10)
    counts = jax.vmap(lambda v: jnp.bincount(v, length=C))(preds.T)  # [B, C]
    return counts.astype(jnp.float32)

if __name__ == "__main__":
    import jax
    _d = setup_inputs()
    print(jax.jit(kernel)(*tuple(_d.values())))

</pallas_src>

<mosaic_0001>
#map = affine_map<(d0, d1) -> (0, 0)>
module attributes {stable_mosaic.version = 14 : i64} {
  func.func @_sc_hist_body(%arg0: i32, %arg1: i32, %arg2: memref<8x16384xi32, #tpu.memory_space<hbm>>, %arg3: memref<16384x10xf32, #tpu.memory_space<hbm>>, %arg4: memref<8x512xi32, #tpu.memory_space<vmem>>, %arg5: memref<512x10xf32, #tpu.memory_space<vmem>>, %arg6: memref<!tpu.dma_semaphore, #tpu.memory_space<semaphore_mem>>) attributes {dimension_semantics = [#tpu.dimension_semantics<core_parallel>, #tpu.dimension_semantics<subcore_parallel>], iteration_bounds = array<i64: 2, 16>, scalar_prefetch = 0 : i64, scratch_operands = 3 : i64, tpu.core_type = #tpu.core_type<sc_vector_subcore>, window_params = [{transform_indices = #map}, {transform_indices = #map}]} {
    %mul3A = arith.constant 2 : i32
    %mul3A_0 = arith.muli %arg1, %mul3A : i32
    %add3A = arith.addi %mul3A_0, %arg0 : i32
    %mul3A_1 = arith.constant 512 : i32
    %mul3A_2 = arith.muli %add3A, %mul3A_1 : i32
    "tpu.region"() ({
      %run_scoped3A = tpu.sem_alloc : memref<!tpu.dma_semaphore, #tpu.memory_space<semaphore_mem>>
      %dma_start3A_115 = arith.constant 0 : i32
      %dma_start3A_116 = tpu.memref_slice %arg2[%dma_start3A_115, %mul3A_2] : memref<8x16384xi32, #tpu.memory_space<hbm>> -> memref<8x512xi32, #tpu.memory_space<hbm>>
      %dma_start3A_117 = arith.constant 0 : i32
      %dma_start3A_118 = tpu.memref_slice %arg2[%dma_start3A_117, %mul3A_2] : memref<8x16384xi32, #tpu.memory_space<hbm>> -> memref<8x512xi32, #tpu.memory_space<hbm>>
      tpu.enqueue_dma source(%dma_start3A_118 : memref<8x512xi32, #tpu.memory_space<hbm>>) target(%arg4 : memref<8x512xi32, #tpu.memory_space<vmem>>) target_semaphore(%run_scoped3A : memref<!tpu.dma_semaphore, #tpu.memory_space<semaphore_mem>>)
      %dma_wait3A_119 = arith.constant 0 : i32
      %dma_wait3A_120 = tpu.memref_slice %arg2[%dma_wait3A_119, %mul3A_2] : memref<8x16384xi32, #tpu.memory_space<hbm>> -> memref<8x512xi32, #tpu.memory_space<hbm>>
      %dma_wait3A_121 = arith.constant 0 : i32
      %dma_wait3A_122 = tpu.memref_slice %arg2[%dma_wait3A_121, %mul3A_2] : memref<8x16384xi32, #tpu.memory_space<hbm>> -> memref<8x512xi32, #tpu.memory_space<hbm>>
      tpu.wait_dma2 semaphore(%run_scoped3A : memref<!tpu.dma_semaphore, #tpu.memory_space<semaphore_mem>>) src(%dma_wait3A_122 : memref<8x512xi32, #tpu.memory_space<hbm>>) dst(%arg4 : memref<8x512xi32, #tpu.memory_space<vmem>>)
      tpu.yield
    }) : () -> ()
    %broadcast_in_dim3A = arith.constant 1.000000e+00 : f32
    %broadcast_in_dim3A_3 = vector.broadcast %broadcast_in_dim3A : f32 to vector<16xf32>
    %broadcast_in_dim3A_4 = arith.constant 0.000000e+00 : f32
    %broadcast_in_dim3A_5 = vector.broadcast %broadcast_in_dim3A_4 : f32 to vector<16xf32>
    %iota3A = tpu.iota {dimensions = array<i32: 0>} : vector<16xi32>
    %scan3A = arith.constant 0 : i32
    %scan3A_6 = arith.constant 0 : i32
    %scan3A_7 = arith.constant 8 : i32
    %scan3A_8 = arith.addi %scan3A_6, %scan3A_7 : i32
    %scan3A_9 = arith.constant 1 : i32
    scf.for %scan3A_115 = %scan3A_6 to %scan3A_8 step %scan3A_9  : i32 {
      %mul3A_116 = arith.constant 16 : i32
      %mul3A_117 = arith.muli %scan3A_115, %mul3A_116 : i32
      %add3A_118 = vector.broadcast %mul3A_117 : i32 to vector<16xi32>
      %add3A_119 = arith.addi %iota3A, %add3A_118 : vector<16xi32>
      %broadcast_in_dim3A_120 = arith.constant 0 : i32
      %broadcast_in_dim3A_121 = vector.broadcast %broadcast_in_dim3A_120 : i32 to vector<16xi32>
      tpu.vector_store_idx %arg5[%add3A_119, %broadcast_in_dim3A_121], %broadcast_in_dim3A_5 : memref<512x10xf32, #tpu.memory_space<vmem>>[vector<16xi32>, vector<16xi32>], vector<16xf32>,
      %broadcast_in_dim3A_122 = arith.constant 1 : i32
      %broadcast_in_dim3A_123 = vector.broadcast %broadcast_in_dim3A_122 : i32 to vector<16xi32>
      tpu.vector_store_idx %arg5[%add3A_119, %broadcast_in_dim3A_123], %broadcast_in_dim3A_5 : memref<512x10xf32, #tpu.memory_space<vmem>>[vector<16xi32>, vector<16xi32>], vector<16xf32>,
      %broadcast_in_dim3A_124 = arith.constant 2 : i32
      %broadcast_in_dim3A_125 = vector.broadcast %broadcast_in_dim3A_124 : i32 to vector<16xi32>
      tpu.vector_store_idx %arg5[%add3A_119, %broadcast_in_dim3A_125], %broadcast_in_dim3A_5 : memref<512x10xf32, #tpu.memory_space<vmem>>[vector<16xi32>, vector<16xi32>], vector<16xf32>,
      %broadcast_in_dim3A_126 = arith.constant 3 : i32
      %broadcast_in_dim3A_127 = vector.broadcast %broadcast_in_dim3A_126 : i32 to vector<16xi32>
      tpu.vector_store_idx %arg5[%add3A_119, %broadcast_in_dim3A_127], %broadcast_in_dim3A_5 : memref<512x10xf32, #tpu.memory_space<vmem>>[vector<16xi32>, vector<16xi32>], vector<16xf32>,
      %broadcast_in_dim3A_128 = arith.constant 4 : i32
      %broadcast_in_dim3A_129 = vector.broadcast %broadcast_in_dim3A_128 : i32 to vector<16xi32>
      tpu.vector_store_idx %arg5[%add3A_119, %broadcast_in_dim3A_129], %broadcast_in_dim3A_5 : memref<512x10xf32, #tpu.memory_space<vmem>>[vector<16xi32>, vector<16xi32>], vector<16xf32>,
      %broadcast_in_dim3A_130 = arith.constant 5 : i32
      %broadcast_in_dim3A_131 = vector.broadcast %broadcast_in_dim3A_130 : i32 to vector<16xi32>
      tpu.vector_store_idx %arg5[%add3A_119, %broadcast_in_dim3A_131], %broadcast_in_dim3A_5 : memref<512x10xf32, #tpu.memory_space<vmem>>[vector<16xi32>, vector<16xi32>], vector<16xf32>,
      %broadcast_in_dim3A_132 = arith.constant 6 : i32
      %broadcast_in_dim3A_133 = vector.broadcast %broadcast_in_dim3A_132 : i32 to vector<16xi32>
      tpu.vector_store_idx %arg5[%add3A_119, %broadcast_in_dim3A_133], %broadcast_in_dim3A_5 : memref<512x10xf32, #tpu.memory_space<vmem>>[vector<16xi32>, vector<16xi32>], vector<16xf32>,
      %broadcast_in_dim3A_134 = arith.constant 7 : i32
      %broadcast_in_dim3A_135 = vector.broadcast %broadcast_in_dim3A_134 : i32 to vector<16xi32>
      tpu.vector_store_idx %arg5[%add3A_119, %broadcast_in_dim3A_135], %broadcast_in_dim3A_5 : memref<512x10xf32, #tpu.memory_space<vmem>>[vector<16xi32>, vector<16xi32>], vector<16xf32>,
      %broadcast_in_dim3A_136 = arith.constant 8 : i32
      %broadcast_in_dim3A_137 = vector.broadcast %broadcast_in_dim3A_136 : i32 to vector<16xi32>
      tpu.vector_store_idx %arg5[%add3A_119, %broadcast_in_dim3A_137], %broadcast_in_dim3A_5 : memref<512x10xf32, #tpu.memory_space<vmem>>[vector<16xi32>, vector<16xi32>], vector<16xf32>,
      %broadcast_in_dim3A_138 = arith.constant 9 : i32
      %broadcast_in_dim3A_139 = vector.broadcast %broadcast_in_dim3A_138 : i32 to vector<16xi32>
      tpu.vector_store_idx %arg5[%add3A_119, %broadcast_in_dim3A_139], %broadcast_in_dim3A_5 : memref<512x10xf32, #tpu.memory_space<vmem>>[vector<16xi32>, vector<16xi32>], vector<16xf32>,
      %get3A = arith.constant 0 : i32
      %get3A_140 = arith.index_cast %get3A : i32 to index
      %get3A_141 = arith.index_cast %mul3A_117 : i32 to index
      %get3A_142 = tpu.vector_load %arg4[%get3A_140, %get3A_141] {strides = array<i32>} : memref<8x512xi32, #tpu.memory_space<vmem>>, vector<16xi32>,
      tpu.vector_store_idx %arg5[%add3A_119, %get3A_142], %broadcast_in_dim3A_3 {add = true} : memref<512x10xf32, #tpu.memory_space<vmem>>[vector<16xi32>, vector<16xi32>], vector<16xf32>,
      %get3A_143 = arith.constant 1 : i32
      %get3A_144 = arith.index_cast %get3A_143 : i32 to index
      %get3A_145 = arith.index_cast %mul3A_117 : i32 to index
      %get3A_146 = tpu.vector_load %arg4[%get3A_144, %get3A_145] {strides = array<i32>} : memref<8x512xi32, #tpu.memory_space<vmem>>, vector<16xi32>,
      tpu.vector_store_idx %arg5[%add3A_119, %get3A_146], %broadcast_in_dim3A_3 {add = true} : memref<512x10xf32, #tpu.memory_space<vmem>>[vector<16xi32>, vector<16xi32>], vector<16xf32>,
      %get3A_147 = arith.constant 2 : i32
      %get3A_148 = arith.index_cast %get3A_147 : i32 to index
      %get3A_149 = arith.index_cast %mul3A_117 : i32 to index
      %get3A_150 = tpu.vector_load %arg4[%get3A_148, %get3A_149] {strides = array<i32>} : memref<8x512xi32, #tpu.memory_space<vmem>>, vector<16xi32>,
      tpu.vector_store_idx %arg5[%add3A_119, %get3A_150], %broadcast_in_dim3A_3 {add = true} : memref<512x10xf32, #tpu.memory_space<vmem>>[vector<16xi32>, vector<16xi32>], vector<16xf32>,
      %get3A_151 = arith.constant 3 : i32
      %get3A_152 = arith.index_cast %get3A_151 : i32 to index
      %get3A_153 = arith.index_cast %mul3A_117 : i32 to index
      %get3A_154 = tpu.vector_load %arg4[%get3A_152, %get3A_153] {strides = array<i32>} : memref<8x512xi32, #tpu.memory_space<vmem>>, vector<16xi32>,
      tpu.vector_store_idx %arg5[%add3A_119, %get3A_154], %broadcast_in_dim3A_3 {add = true} : memref<512x10xf32, #tpu.memory_space<vmem>>[vector<16xi32>, vector<16xi32>], vector<16xf32>,
      %get3A_155 = arith.constant 4 : i32
      %get3A_156 = arith.index_cast %get3A_155 : i32 to index
      %get3A_157 = arith.index_cast %mul3A_117 : i32 to index
      %get3A_158 = tpu.vector_load %arg4[%get3A_156, %get3A_157] {strides = array<i32>} : memref<8x512xi32, #tpu.memory_space<vmem>>, vector<16xi32>,
      tpu.vector_store_idx %arg5[%add3A_119, %get3A_158], %broadcast_in_dim3A_3 {add = true} : memref<512x10xf32, #tpu.memory_space<vmem>>[vector<16xi32>, vector<16xi32>], vector<16xf32>,
      %get3A_159 = arith.constant 5 : i32
      %get3A_160 = arith.index_cast %get3A_159 : i32 to index
      %get3A_161 = arith.index_cast %mul3A_117 : i32 to index
      %get3A_162 = tpu.vector_load %arg4[%get3A_160, %get3A_161] {strides = array<i32>} : memref<8x512xi32, #tpu.memory_space<vmem>>, vector<16xi32>,
      tpu.vector_store_idx %arg5[%add3A_119, %get3A_162], %broadcast_in_dim3A_3 {add = true} : memref<512x10xf32, #tpu.memory_space<vmem>>[vector<16xi32>, vector<16xi32>], vector<16xf32>,
      %get3A_163 = arith.constant 6 : i32
      %get3A_164 = arith.index_cast %get3A_163 : i32 to index
      %get3A_165 = arith.index_cast %mul3A_117 : i32 to index
      %get3A_166 = tpu.vector_load %arg4[%get3A_164, %get3A_165] {strides = array<i32>} : memref<8x512xi32, #tpu.memory_space<vmem>>, vector<16xi32>,
      tpu.vector_store_idx %arg5[%add3A_119, %get3A_166], %broadcast_in_dim3A_3 {add = true} : memref<512x10xf32, #tpu.memory_space<vmem>>[vector<16xi32>, vector<16xi32>], vector<16xf32>,
      %get3A_167 = arith.constant 7 : i32
      %get3A_168 = arith.index_cast %get3A_167 : i32 to index
      %get3A_169 = arith.index_cast %mul3A_117 : i32 to index
      %get3A_170 = tpu.vector_load %arg4[%get3A_168, %get3A_169] {strides = array<i32>} : memref<8x512xi32, #tpu.memory_space<vmem>>, vector<16xi32>,
      tpu.vector_store_idx %arg5[%add3A_119, %get3A_170], %broadcast_in_dim3A_3 {add = true} : memref<512x10xf32, #tpu.memory_space<vmem>>[vector<16xi32>, vector<16xi32>], vector<16xf32>,
    }
    %scan3A_10 = arith.constant 8 : i32
    %add3A_11 = arith.constant 0 : i32
    %add3A_12 = arith.addi %mul3A_2, %add3A_11 : i32
    %dma_start3A = arith.constant 0 : i32
    %dma_start3A_13 = arith.constant 0 : i32
    %dma_start3A_14 = tpu.memref_slice %arg5[%dma_start3A, %dma_start3A_13] : memref<512x10xf32, #tpu.memory_space<vmem>> -> memref<128x10xf32, #tpu.memory_space<vmem>>
    %dma_start3A_15 = arith.constant 0 : i32
    %dma_start3A_16 = tpu.memref_slice %arg3[%add3A_12, %dma_start3A_15] : memref<16384x10xf32, #tpu.memory_space<hbm>> -> memref<128x10xf32, #tpu.memory_space<hbm>>
    %dma_start3A_17 = arith.constant 0 : i32
    %dma_start3A_18 = tpu.memref_slice %arg3[%add3A_12, %dma_start3A_17] : memref<16384x10xf32, #tpu.memory_space<hbm>> -> memref<128x10xf32, #tpu.memory_space<hbm>>
    %dma_start3A_19 = arith.constant 0 : i32
    %dma_start3A_20 = arith.constant 0 : i32
    %dma_start3A_21 = tpu.memref_slice %arg5[%dma_start3A_19, %dma_start3A_20] : memref<512x10xf32, #tpu.memory_space<vmem>> -> memref<128x10xf32, #tpu.memory_space<vmem>>
    tpu.enqueue_dma source(%dma_start3A_21 : memref<128x10xf32, #tpu.memory_space<vmem>>) target(%dma_start3A_18 : memref<128x10xf32, #tpu.memory_space<hbm>>) target_semaphore(%arg6 : memref<!tpu.dma_semaphore, #tpu.memory_space<semaphore_mem>>)
    %scan3A_22 = arith.constant 0 : i32
    %scan3A_23 = arith.constant 8 : i32
    %scan3A_24 = arith.constant 8 : i32
    %scan3A_25 = arith.addi %scan3A_23, %scan3A_24 : i32
    %scan3A_26 = arith.constant 1 : i32
    scf.for %scan3A_115 = %scan3A_23 to %scan3A_25 step %scan3A_26  : i32 {
      %mul3A_116 = arith.constant 16 : i32
      %mul3A_117 = arith.muli %scan3A_115, %mul3A_116 : i32
      %add3A_118 = vector.broadcast %mul3A_117 : i32 to vector<16xi32>
      %add3A_119 = arith.addi %iota3A, %add3A_118 : vector<16xi32>
      %broadcast_in_dim3A_120 = arith.constant 0 : i32
      %broadcast_in_dim3A_121 = vector.broadcast %broadcast_in_dim3A_120 : i32 to vector<16xi32>
      tpu.vector_store_idx %arg5[%add3A_119, %broadcast_in_dim3A_121], %broadcast_in_dim3A_5 : memref<512x10xf32, #tpu.memory_space<vmem>>[vector<16xi32>, vector<16xi32>], vector<16xf32>,
      %broadcast_in_dim3A_122 = arith.constant 1 : i32
      %broadcast_in_dim3A_123 = vector.broadcast %broadcast_in_dim3A_122 : i32 to vector<16xi32>
      tpu.vector_store_idx %arg5[%add3A_119, %broadcast_in_dim3A_123], %broadcast_in_dim3A_5 : memref<512x10xf32, #tpu.memory_space<vmem>>[vector<16xi32>, vector<16xi32>], vector<16xf32>,
      %broadcast_in_dim3A_124 = arith.constant 2 : i32
      %broadcast_in_dim3A_125 = vector.broadcast %broadcast_in_dim3A_124 : i32 to vector<16xi32>
      tpu.vector_store_idx %arg5[%add3A_119, %broadcast_in_dim3A_125], %broadcast_in_dim3A_5 : memref<512x10xf32, #tpu.memory_space<vmem>>[vector<16xi32>, vector<16xi32>], vector<16xf32>,
      %broadcast_in_dim3A_126 = arith.constant 3 : i32
      %broadcast_in_dim3A_127 = vector.broadcast %broadcast_in_dim3A_126 : i32 to vector<16xi32>
      tpu.vector_store_idx %arg5[%add3A_119, %broadcast_in_dim3A_127], %broadcast_in_dim3A_5 : memref<512x10xf32, #tpu.memory_space<vmem>>[vector<16xi32>, vector<16xi32>], vector<16xf32>,
      %broadcast_in_dim3A_128 = arith.constant 4 : i32
      %broadcast_in_dim3A_129 = vector.broadcast %broadcast_in_dim3A_128 : i32 to vector<16xi32>
      tpu.vector_store_idx %arg5[%add3A_119, %broadcast_in_dim3A_129], %broadcast_in_dim3A_5 : memref<512x10xf32, #tpu.memory_space<vmem>>[vector<16xi32>, vector<16xi32>], vector<16xf32>,
      %broadcast_in_dim3A_130 = arith.constant 5 : i32
      %broadcast_in_dim3A_131 = vector.broadcast %broadcast_in_dim3A_130 : i32 to vector<16xi32>
      tpu.vector_store_idx %arg5[%add3A_119, %broadcast_in_dim3A_131], %broadcast_in_dim3A_5 : memref<512x10xf32, #tpu.memory_space<vmem>>[vector<16xi32>, vector<16xi32>], vector<16xf32>,
      %broadcast_in_dim3A_132 = arith.constant 6 : i32
      %broadcast_in_dim3A_133 = vector.broadcast %broadcast_in_dim3A_132 : i32 to vector<16xi32>
      tpu.vector_store_idx %arg5[%add3A_119, %broadcast_in_dim3A_133], %broadcast_in_dim3A_5 : memref<512x10xf32, #tpu.memory_space<vmem>>[vector<16xi32>, vector<16xi32>], vector<16xf32>,
      %broadcast_in_dim3A_134 = arith.constant 7 : i32
      %broadcast_in_dim3A_135 = vector.broadcast %broadcast_in_dim3A_134 : i32 to vector<16xi32>
      tpu.vector_store_idx %arg5[%add3A_119, %broadcast_in_dim3A_135], %broadcast_in_dim3A_5 : memref<512x10xf32, #tpu.memory_space<vmem>>[vector<16xi32>, vector<16xi32>], vector<16xf32>,
      %broadcast_in_dim3A_136 = arith.constant 8 : i32
      %broadcast_in_dim3A_137 = vector.broadcast %broadcast_in_dim3A_136 : i32 to vector<16xi32>
      tpu.vector_store_idx %arg5[%add3A_119, %broadcast_in_dim3A_137], %broadcast_in_dim3A_5 : memref<512x10xf32, #tpu.memory_space<vmem>>[vector<16xi32>, vector<16xi32>], vector<16xf32>,
      %broadcast_in_dim3A_138 = arith.constant 9 : i32
      %broadcast_in_dim3A_139 = vector.broadcast %broadcast_in_dim3A_138 : i32 to vector<16xi32>
      tpu.vector_store_idx %arg5[%add3A_119, %broadcast_in_dim3A_139], %broadcast_in_dim3A_5 : memref<512x10xf32, #tpu.memory_space<vmem>>[vector<16xi32>, vector<16xi32>], vector<16xf32>,
      %get3A = arith.constant 0 : i32
      %get3A_140 = arith.index_cast %get3A : i32 to index
      %get3A_141 = arith.index_cast %mul3A_117 : i32 to index
      %get3A_142 = tpu.vector_load %arg4[%get3A_140, %get3A_141] {strides = array<i32>} : memref<8x512xi32, #tpu.memory_space<vmem>>, vector<16xi32>,
      tpu.vector_store_idx %arg5[%add3A_119, %get3A_142], %broadcast_in_dim3A_3 {add = true} : memref<512x10xf32, #tpu.memory_space<vmem>>[vector<16xi32>, vector<16xi32>], vector<16xf32>,
      %get3A_143 = arith.constant 1 : i32
      %get3A_144 = arith.index_cast %get3A_143 : i32 to index
      %get3A_145 = arith.index_cast %mul3A_117 : i32 to index
      %get3A_146 = tpu.vector_load %arg4[%get3A_144, %get3A_145] {strides = array<i32>} : memref<8x512xi32, #tpu.memory_space<vmem>>, vector<16xi32>,
      tpu.vector_store_idx %arg5[%add3A_119, %get3A_146], %broadcast_in_dim3A_3 {add = true} : memref<512x10xf32, #tpu.memory_space<vmem>>[vector<16xi32>, vector<16xi32>], vector<16xf32>,
      %get3A_147 = arith.constant 2 : i32
      %get3A_148 = arith.index_cast %get3A_147 : i32 to index
      %get3A_149 = arith.index_cast %mul3A_117 : i32 to index
      %get3A_150 = tpu.vector_load %arg4[%get3A_148, %get3A_149] {strides = array<i32>} : memref<8x512xi32, #tpu.memory_space<vmem>>, vector<16xi32>,
      tpu.vector_store_idx %arg5[%add3A_119, %get3A_150], %broadcast_in_dim3A_3 {add = true} : memref<512x10xf32, #tpu.memory_space<vmem>>[vector<16xi32>, vector<16xi32>], vector<16xf32>,
      %get3A_151 = arith.constant 3 : i32
      %get3A_152 = arith.index_cast %get3A_151 : i32 to index
      %get3A_153 = arith.index_cast %mul3A_117 : i32 to index
      %get3A_154 = tpu.vector_load %arg4[%get3A_152, %get3A_153] {strides = array<i32>} : memref<8x512xi32, #tpu.memory_space<vmem>>, vector<16xi32>,
      tpu.vector_store_idx %arg5[%add3A_119, %get3A_154], %broadcast_in_dim3A_3 {add = true} : memref<512x10xf32, #tpu.memory_space<vmem>>[vector<16xi32>, vector<16xi32>], vector<16xf32>,
      %get3A_155 = arith.constant 4 : i32
      %get3A_156 = arith.index_cast %get3A_155 : i32 to index
      %get3A_157 = arith.index_cast %mul3A_117 : i32 to index
      %get3A_158 = tpu.vector_load %arg4[%get3A_156, %get3A_157] {strides = array<i32>} : memref<8x512xi32, #tpu.memory_space<vmem>>, vector<16xi32>,
      tpu.vector_store_idx %arg5[%add3A_119, %get3A_158], %broadcast_in_dim3A_3 {add = true} : memref<512x10xf32, #tpu.memory_space<vmem>>[vector<16xi32>, vector<16xi32>], vector<16xf32>,
      %get3A_159 = arith.constant 5 : i32
      %get3A_160 = arith.index_cast %get3A_159 : i32 to index
      %get3A_161 = arith.index_cast %mul3A_117 : i32 to index
      %get3A_162 = tpu.vector_load %arg4[%get3A_160, %get3A_161] {strides = array<i32>} : memref<8x512xi32, #tpu.memory_space<vmem>>, vector<16xi32>,
      tpu.vector_store_idx %arg5[%add3A_119, %get3A_162], %broadcast_in_dim3A_3 {add = true} : memref<512x10xf32, #tpu.memory_space<vmem>>[vector<16xi32>, vector<16xi32>], vector<16xf32>,
      %get3A_163 = arith.constant 6 : i32
      %get3A_164 = arith.index_cast %get3A_163 : i32 to index
      %get3A_165 = arith.index_cast %mul3A_117 : i32 to index
      %get3A_166 = tpu.vector_load %arg4[%get3A_164, %get3A_165] {strides = array<i32>} : memref<8x512xi32, #tpu.memory_space<vmem>>, vector<16xi32>,
      tpu.vector_store_idx %arg5[%add3A_119, %get3A_166], %broadcast_in_dim3A_3 {add = true} : memref<512x10xf32, #tpu.memory_space<vmem>>[vector<16xi32>, vector<16xi32>], vector<16xf32>,
      %get3A_167 = arith.constant 7 : i32
      %get3A_168 = arith.index_cast %get3A_167 : i32 to index
      %get3A_169 = arith.index_cast %mul3A_117 : i32 to index
      %get3A_170 = tpu.vector_load %arg4[%get3A_168, %get3A_169] {strides = array<i32>} : memref<8x512xi32, #tpu.memory_space<vmem>>, vector<16xi32>,
      tpu.vector_store_idx %arg5[%add3A_119, %get3A_170], %broadcast_in_dim3A_3 {add = true} : memref<512x10xf32, #tpu.memory_space<vmem>>[vector<16xi32>, vector<16xi32>], vector<16xf32>,
    }
    %scan3A_27 = arith.constant 8 : i32
    %add3A_28 = arith.constant 128 : i32
    %add3A_29 = arith.addi %mul3A_2, %add3A_28 : i32
    %dma_start3A_30 = arith.constant 128 : i32
    %dma_start3A_31 = arith.constant 0 : i32
    %dma_start3A_32 = tpu.memref_slice %arg5[%dma_start3A_30, %dma_start3A_31] : memref<512x10xf32, #tpu.memory_space<vmem>> -> memref<128x10xf32, #tpu.memory_space<vmem>>
    %dma_start3A_33 = arith.constant 0 : i32
    %dma_start3A_34 = tpu.memref_slice %arg3[%add3A_29, %dma_start3A_33] : memref<16384x10xf32, #tpu.memory_space<hbm>> -> memref<128x10xf32, #tpu.memory_space<hbm>>
    %dma_start3A_35 = arith.constant 0 : i32
    %dma_start3A_36 = tpu.memref_slice %arg3[%add3A_29, %dma_start3A_35] : memref<16384x10xf32, #tpu.memory_space<hbm>> -> memref<128x10xf32, #tpu.memory_space<hbm>>
    %dma_start3A_37 = arith.constant 128 : i32
    %dma_start3A_38 = arith.constant 0 : i32
    %dma_start3A_39 = tpu.memref_slice %arg5[%dma_start3A_37, %dma_start3A_38] : memref<512x10xf32, #tpu.memory_space<vmem>> -> memref<128x10xf32, #tpu.memory_space<vmem>>
    tpu.enqueue_dma source(%dma_start3A_39 : memref<128x10xf32, #tpu.memory_space<vmem>>) target(%dma_start3A_36 : memref<128x10xf32, #tpu.memory_space<hbm>>) target_semaphore(%arg6 : memref<!tpu.dma_semaphore, #tpu.memory_space<semaphore_mem>>)
    %scan3A_40 = arith.constant 0 : i32
    %scan3A_41 = arith.constant 16 : i32
    %scan3A_42 = arith.constant 8 : i32
    %scan3A_43 = arith.addi %scan3A_41, %scan3A_42 : i32
    %scan3A_44 = arith.constant 1 : i32
    scf.for %scan3A_115 = %scan3A_41 to %scan3A_43 step %scan3A_44  : i32 {
      %mul3A_116 = arith.constant 16 : i32
      %mul3A_117 = arith.muli %scan3A_115, %mul3A_116 : i32
      %add3A_118 = vector.broadcast %mul3A_117 : i32 to vector<16xi32>
      %add3A_119 = arith.addi %iota3A, %add3A_118 : vector<16xi32>
      %broadcast_in_dim3A_120 = arith.constant 0 : i32
      %broadcast_in_dim3A_121 = vector.broadcast %broadcast_in_dim3A_120 : i32 to vector<16xi32>
      tpu.vector_store_idx %arg5[%add3A_119, %broadcast_in_dim3A_121], %broadcast_in_dim3A_5 : memref<512x10xf32, #tpu.memory_space<vmem>>[vector<16xi32>, vector<16xi32>], vector<16xf32>,
      %broadcast_in_dim3A_122 = arith.constant 1 : i32
      %broadcast_in_dim3A_123 = vector.broadcast %broadcast_in_dim3A_122 : i32 to vector<16xi32>
      tpu.vector_store_idx %arg5[%add3A_119, %broadcast_in_dim3A_123], %broadcast_in_dim3A_5 : memref<512x10xf32, #tpu.memory_space<vmem>>[vector<16xi32>, vector<16xi32>], vector<16xf32>,
      %broadcast_in_dim3A_124 = arith.constant 2 : i32
      %broadcast_in_dim3A_125 = vector.broadcast %broadcast_in_dim3A_124 : i32 to vector<16xi32>
      tpu.vector_store_idx %arg5[%add3A_119, %broadcast_in_dim3A_125], %broadcast_in_dim3A_5 : memref<512x10xf32, #tpu.memory_space<vmem>>[vector<16xi32>, vector<16xi32>], vector<16xf32>,
      %broadcast_in_dim3A_126 = arith.constant 3 : i32
      %broadcast_in_dim3A_127 = vector.broadcast %broadcast_in_dim3A_126 : i32 to vector<16xi32>
      tpu.vector_store_idx %arg5[%add3A_119, %broadcast_in_dim3A_127], %broadcast_in_dim3A_5 : memref<512x10xf32, #tpu.memory_space<vmem>>[vector<16xi32>, vector<16xi32>], vector<16xf32>,
      %broadcast_in_dim3A_128 = arith.constant 4 : i32
      %broadcast_in_dim3A_129 = vector.broadcast %broadcast_in_dim3A_128 : i32 to vector<16xi32>
      tpu.vector_store_idx %arg5[%add3A_119, %broadcast_in_dim3A_129], %broadcast_in_dim3A_5 : memref<512x10xf32, #tpu.memory_space<vmem>>[vector<16xi32>, vector<16xi32>], vector<16xf32>,
      %broadcast_in_dim3A_130 = arith.constant 5 : i32
      %broadcast_in_dim3A_131 = vector.broadcast %broadcast_in_dim3A_130 : i32 to vector<16xi32>
      tpu.vector_store_idx %arg5[%add3A_119, %broadcast_in_dim3A_131], %broadcast_in_dim3A_5 : memref<512x10xf32, #tpu.memory_space<vmem>>[vector<16xi32>, vector<16xi32>], vector<16xf32>,
      %broadcast_in_dim3A_132 = arith.constant 6 : i32
      %broadcast_in_dim3A_133 = vector.broadcast %broadcast_in_dim3A_132 : i32 to vector<16xi32>
      tpu.vector_store_idx %arg5[%add3A_119, %broadcast_in_dim3A_133], %broadcast_in_dim3A_5 : memref<512x10xf32, #tpu.memory_space<vmem>>[vector<16xi32>, vector<16xi32>], vector<16xf32>,
      %broadcast_in_dim3A_134 = arith.constant 7 : i32
      %broadcast_in_dim3A_135 = vector.broadcast %broadcast_in_dim3A_134 : i32 to vector<16xi32>
      tpu.vector_store_idx %arg5[%add3A_119, %broadcast_in_dim3A_135], %broadcast_in_dim3A_5 : memref<512x10xf32, #tpu.memory_space<vmem>>[vector<16xi32>, vector<16xi32>], vector<16xf32>,
      %broadcast_in_dim3A_136 = arith.constant 8 : i32
      %broadcast_in_dim3A_137 = vector.broadcast %broadcast_in_dim3A_136 : i32 to vector<16xi32>
      tpu.vector_store_idx %arg5[%add3A_119, %broadcast_in_dim3A_137], %broadcast_in_dim3A_5 : memref<512x10xf32, #tpu.memory_space<vmem>>[vector<16xi32>, vector<16xi32>], vector<16xf32>,
      %broadcast_in_dim3A_138 = arith.constant 9 : i32
      %broadcast_in_dim3A_139 = vector.broadcast %broadcast_in_dim3A_138 : i32 to vector<16xi32>
      tpu.vector_store_idx %arg5[%add3A_119, %broadcast_in_dim3A_139], %broadcast_in_dim3A_5 : memref<512x10xf32, #tpu.memory_space<vmem>>[vector<16xi32>, vector<16xi32>], vector<16xf32>,
      %get3A = arith.constant 0 : i32
      %get3A_140 = arith.index_cast %get3A : i32 to index
      %get3A_141 = arith.index_cast %mul3A_117 : i32 to index
      %get3A_142 = tpu.vector_load %arg4[%get3A_140, %get3A_141] {strides = array<i32>} : memref<8x512xi32, #tpu.memory_space<vmem>>, vector<16xi32>,
      tpu.vector_store_idx %arg5[%add3A_119, %get3A_142], %broadcast_in_dim3A_3 {add = true} : memref<512x10xf32, #tpu.memory_space<vmem>>[vector<16xi32>, vector<16xi32>], vector<16xf32>,
      %get3A_143 = arith.constant 1 : i32
      %get3A_144 = arith.index_cast %get3A_143 : i32 to index
      %get3A_145 = arith.index_cast %mul3A_117 : i32 to index
      %get3A_146 = tpu.vector_load %arg4[%get3A_144, %get3A_145] {strides = array<i32>} : memref<8x512xi32, #tpu.memory_space<vmem>>, vector<16xi32>,
      tpu.vector_store_idx %arg5[%add3A_119, %get3A_146], %broadcast_in_dim3A_3 {add = true} : memref<512x10xf32, #tpu.memory_space<vmem>>[vector<16xi32>, vector<16xi32>], vector<16xf32>,
      %get3A_147 = arith.constant 2 : i32
      %get3A_148 = arith.index_cast %get3A_147 : i32 to index
      %get3A_149 = arith.index_cast %mul3A_117 : i32 to index
      %get3A_150 = tpu.vector_load %arg4[%get3A_148, %get3A_149] {strides = array<i32>} : memref<8x512xi32, #tpu.memory_space<vmem>>, vector<16xi32>,
      tpu.vector_store_idx %arg5[%add3A_119, %get3A_150], %broadcast_in_dim3A_3 {add = true} : memref<512x10xf32, #tpu.memory_space<vmem>>[vector<16xi32>, vector<16xi32>], vector<16xf32>,
      %get3A_151 = arith.constant 3 : i32
      %get3A_152 = arith.index_cast %get3A_151 : i32 to index
      %get3A_153 = arith.index_cast %mul3A_117 : i32 to index
      %get3A_154 = tpu.vector_load %arg4[%get3A_152, %get3A_153] {strides = array<i32>} : memref<8x512xi32, #tpu.memory_space<vmem>>, vector<16xi32>,
      tpu.vector_store_idx %arg5[%add3A_119, %get3A_154], %broadcast_in_dim3A_3 {add = true} : memref<512x10xf32, #tpu.memory_space<vmem>>[vector<16xi32>, vector<16xi32>], vector<16xf32>,
      %get3A_155 = arith.constant 4 : i32
      %get3A_156 = arith.index_cast %get3A_155 : i32 to index
      %get3A_157 = arith.index_cast %mul3A_117 : i32 to index
      %get3A_158 = tpu.vector_load %arg4[%get3A_156, %get3A_157] {strides = array<i32>} : memref<8x512xi32, #tpu.memory_space<vmem>>, vector<16xi32>,
      tpu.vector_store_idx %arg5[%add3A_119, %get3A_158], %broadcast_in_dim3A_3 {add = true} : memref<512x10xf32, #tpu.memory_space<vmem>>[vector<16xi32>, vector<16xi32>], vector<16xf32>,
      %get3A_159 = arith.constant 5 : i32
      %get3A_160 = arith.index_cast %get3A_159 : i32 to index
      %get3A_161 = arith.index_cast %mul3A_117 : i32 to index
      %get3A_162 = tpu.vector_load %arg4[%get3A_160, %get3A_161] {strides = array<i32>} : memref<8x512xi32, #tpu.memory_space<vmem>>, vector<16xi32>,
      tpu.vector_store_idx %arg5[%add3A_119, %get3A_162], %broadcast_in_dim3A_3 {add = true} : memref<512x10xf32, #tpu.memory_space<vmem>>[vector<16xi32>, vector<16xi32>], vector<16xf32>,
      %get3A_163 = arith.constant 6 : i32
      %get3A_164 = arith.index_cast %get3A_163 : i32 to index
      %get3A_165 = arith.index_cast %mul3A_117 : i32 to index
      %get3A_166 = tpu.vector_load %arg4[%get3A_164, %get3A_165] {strides = array<i32>} : memref<8x512xi32, #tpu.memory_space<vmem>>, vector<16xi32>,
      tpu.vector_store_idx %arg5[%add3A_119, %get3A_166], %broadcast_in_dim3A_3 {add = true} : memref<512x10xf32, #tpu.memory_space<vmem>>[vector<16xi32>, vector<16xi32>], vector<16xf32>,
      %get3A_167 = arith.constant 7 : i32
      %get3A_168 = arith.index_cast %get3A_167 : i32 to index
      %get3A_169 = arith.index_cast %mul3A_117 : i32 to index
      %get3A_170 = tpu.vector_load %arg4[%get3A_168, %get3A_169] {strides = array<i32>} : memref<8x512xi32, #tpu.memory_space<vmem>>, vector<16xi32>,
      tpu.vector_store_idx %arg5[%add3A_119, %get3A_170], %broadcast_in_dim3A_3 {add = true} : memref<512x10xf32, #tpu.memory_space<vmem>>[vector<16xi32>, vector<16xi32>], vector<16xf32>,
    }
    %scan3A_45 = arith.constant 8 : i32
    %add3A_46 = arith.constant 256 : i32
    %add3A_47 = arith.addi %mul3A_2, %add3A_46 : i32
    %dma_start3A_48 = arith.constant 256 : i32
    %dma_start3A_49 = arith.constant 0 : i32
    %dma_start3A_50 = tpu.memref_slice %arg5[%dma_start3A_48, %dma_start3A_49] : memref<512x10xf32, #tpu.memory_space<vmem>> -> memref<128x10xf32, #tpu.memory_space<vmem>>
    %dma_start3A_51 = arith.constant 0 : i32
    %dma_start3A_52 = tpu.memref_slice %arg3[%add3A_47, %dma_start3A_51] : memref<16384x10xf32, #tpu.memory_space<hbm>> -> memref<128x10xf32, #tpu.memory_space<hbm>>
    %dma_start3A_53 = arith.constant 0 : i32
    %dma_start3A_54 = tpu.memref_slice %arg3[%add3A_47, %dma_start3A_53] : memref<16384x10xf32, #tpu.memory_space<hbm>> -> memref<128x10xf32, #tpu.memory_space<hbm>>
    %dma_start3A_55 = arith.constant 256 : i32
    %dma_start3A_56 = arith.constant 0 : i32
    %dma_start3A_57 = tpu.memref_slice %arg5[%dma_start3A_55, %dma_start3A_56] : memref<512x10xf32, #tpu.memory_space<vmem>> -> memref<128x10xf32, #tpu.memory_space<vmem>>
    tpu.enqueue_dma source(%dma_start3A_57 : memref<128x10xf32, #tpu.memory_space<vmem>>) target(%dma_start3A_54 : memref<128x10xf32, #tpu.memory_space<hbm>>) target_semaphore(%arg6 : memref<!tpu.dma_semaphore, #tpu.memory_space<semaphore_mem>>)
    %scan3A_58 = arith.constant 0 : i32
    %scan3A_59 = arith.constant 24 : i32
    %scan3A_60 = arith.constant 8 : i32
    %scan3A_61 = arith.addi %scan3A_59, %scan3A_60 : i32
    %scan3A_62 = arith.constant 1 : i32
    scf.for %scan3A_115 = %scan3A_59 to %scan3A_61 step %scan3A_62  : i32 {
      %mul3A_116 = arith.constant 16 : i32
      %mul3A_117 = arith.muli %scan3A_115, %mul3A_116 : i32
      %add3A_118 = vector.broadcast %mul3A_117 : i32 to vector<16xi32>
      %add3A_119 = arith.addi %iota3A, %add3A_118 : vector<16xi32>
      %broadcast_in_dim3A_120 = arith.constant 0 : i32
      %broadcast_in_dim3A_121 = vector.broadcast %broadcast_in_dim3A_120 : i32 to vector<16xi32>
      tpu.vector_store_idx %arg5[%add3A_119, %broadcast_in_dim3A_121], %broadcast_in_dim3A_5 : memref<512x10xf32, #tpu.memory_space<vmem>>[vector<16xi32>, vector<16xi32>], vector<16xf32>,
      %broadcast_in_dim3A_122 = arith.constant 1 : i32
      %broadcast_in_dim3A_123 = vector.broadcast %broadcast_in_dim3A_122 : i32 to vector<16xi32>
      tpu.vector_store_idx %arg5[%add3A_119, %broadcast_in_dim3A_123], %broadcast_in_dim3A_5 : memref<512x10xf32, #tpu.memory_space<vmem>>[vector<16xi32>, vector<16xi32>], vector<16xf32>,
      %broadcast_in_dim3A_124 = arith.constant 2 : i32
      %broadcast_in_dim3A_125 = vector.broadcast %broadcast_in_dim3A_124 : i32 to vector<16xi32>
      tpu.vector_store_idx %arg5[%add3A_119, %broadcast_in_dim3A_125], %broadcast_in_dim3A_5 : memref<512x10xf32, #tpu.memory_space<vmem>>[vector<16xi32>, vector<16xi32>], vector<16xf32>,
      %broadcast_in_dim3A_126 = arith.constant 3 : i32
      %broadcast_in_dim3A_127 = vector.broadcast %broadcast_in_dim3A_126 : i32 to vector<16xi32>
      tpu.vector_store_idx %arg5[%add3A_119, %broadcast_in_dim3A_127], %broadcast_in_dim3A_5 : memref<512x10xf32, #tpu.memory_space<vmem>>[vector<16xi32>, vector<16xi32>], vector<16xf32>,
      %broadcast_in_dim3A_128 = arith.constant 4 : i32
      %broadcast_in_dim3A_129 = vector.broadcast %broadcast_in_dim3A_128 : i32 to vector<16xi32>
      tpu.vector_store_idx %arg5[%add3A_119, %broadcast_in_dim3A_129], %broadcast_in_dim3A_5 : memref<512x10xf32, #tpu.memory_space<vmem>>[vector<16xi32>, vector<16xi32>], vector<16xf32>,
      %broadcast_in_dim3A_130 = arith.constant 5 : i32
      %broadcast_in_dim3A_131 = vector.broadcast %broadcast_in_dim3A_130 : i32 to vector<16xi32>
      tpu.vector_store_idx %arg5[%add3A_119, %broadcast_in_dim3A_131], %broadcast_in_dim3A_5 : memref<512x10xf32, #tpu.memory_space<vmem>>[vector<16xi32>, vector<16xi32>], vector<16xf32>,
      %broadcast_in_dim3A_132 = arith.constant 6 : i32
      %broadcast_in_dim3A_133 = vector.broadcast %broadcast_in_dim3A_132 : i32 to vector<16xi32>
      tpu.vector_store_idx %arg5[%add3A_119, %broadcast_in_dim3A_133], %broadcast_in_dim3A_5 : memref<512x10xf32, #tpu.memory_space<vmem>>[vector<16xi32>, vector<16xi32>], vector<16xf32>,
      %broadcast_in_dim3A_134 = arith.constant 7 : i32
      %broadcast_in_dim3A_135 = vector.broadcast %broadcast_in_dim3A_134 : i32 to vector<16xi32>
      tpu.vector_store_idx %arg5[%add3A_119, %broadcast_in_dim3A_135], %broadcast_in_dim3A_5 : memref<512x10xf32, #tpu.memory_space<vmem>>[vector<16xi32>, vector<16xi32>], vector<16xf32>,
      %broadcast_in_dim3A_136 = arith.constant 8 : i32
      %broadcast_in_dim3A_137 = vector.broadcast %broadcast_in_dim3A_136 : i32 to vector<16xi32>
      tpu.vector_store_idx %arg5[%add3A_119, %broadcast_in_dim3A_137], %broadcast_in_dim3A_5 : memref<512x10xf32, #tpu.memory_space<vmem>>[vector<16xi32>, vector<16xi32>], vector<16xf32>,
      %broadcast_in_dim3A_138 = arith.constant 9 : i32
      %broadcast_in_dim3A_139 = vector.broadcast %broadcast_in_dim3A_138 : i32 to vector<16xi32>
      tpu.vector_store_idx %arg5[%add3A_119, %broadcast_in_dim3A_139], %broadcast_in_dim3A_5 : memref<512x10xf32, #tpu.memory_space<vmem>>[vector<16xi32>, vector<16xi32>], vector<16xf32>,
      %get3A = arith.constant 0 : i32
      %get3A_140 = arith.index_cast %get3A : i32 to index
      %get3A_141 = arith.index_cast %mul3A_117 : i32 to index
      %get3A_142 = tpu.vector_load %arg4[%get3A_140, %get3A_141] {strides = array<i32>} : memref<8x512xi32, #tpu.memory_space<vmem>>, vector<16xi32>,
      tpu.vector_store_idx %arg5[%add3A_119, %get3A_142], %broadcast_in_dim3A_3 {add = true} : memref<512x10xf32, #tpu.memory_space<vmem>>[vector<16xi32>, vector<16xi32>], vector<16xf32>,
      %get3A_143 = arith.constant 1 : i32
      %get3A_144 = arith.index_cast %get3A_143 : i32 to index
      %get3A_145 = arith.index_cast %mul3A_117 : i32 to index
      %get3A_146 = tpu.vector_load %arg4[%get3A_144, %get3A_145] {strides = array<i32>} : memref<8x512xi32, #tpu.memory_space<vmem>>, vector<16xi32>,
      tpu.vector_store_idx %arg5[%add3A_119, %get3A_146], %broadcast_in_dim3A_3 {add = true} : memref<512x10xf32, #tpu.memory_space<vmem>>[vector<16xi32>, vector<16xi32>], vector<16xf32>,
      %get3A_147 = arith.constant 2 : i32
      %get3A_148 = arith.index_cast %get3A_147 : i32 to index
      %get3A_149 = arith.index_cast %mul3A_117 : i32 to index
      %get3A_150 = tpu.vector_load %arg4[%get3A_148, %get3A_149] {strides = array<i32>} : memref<8x512xi32, #tpu.memory_space<vmem>>, vector<16xi32>,
      tpu.vector_store_idx %arg5[%add3A_119, %get3A_150], %broadcast_in_dim3A_3 {add = true} : memref<512x10xf32, #tpu.memory_space<vmem>>[vector<16xi32>, vector<16xi32>], vector<16xf32>,
      %get3A_151 = arith.constant 3 : i32
      %get3A_152 = arith.index_cast %get3A_151 : i32 to index
      %get3A_153 = arith.index_cast %mul3A_117 : i32 to index
      %get3A_154 = tpu.vector_load %arg4[%get3A_152, %get3A_153] {strides = array<i32>} : memref<8x512xi32, #tpu.memory_space<vmem>>, vector<16xi32>,
      tpu.vector_store_idx %arg5[%add3A_119, %get3A_154], %broadcast_in_dim3A_3 {add = true} : memref<512x10xf32, #tpu.memory_space<vmem>>[vector<16xi32>, vector<16xi32>], vector<16xf32>,
      %get3A_155 = arith.constant 4 : i32
      %get3A_156 = arith.index_cast %get3A_155 : i32 to index
      %get3A_157 = arith.index_cast %mul3A_117 : i32 to index
      %get3A_158 = tpu.vector_load %arg4[%get3A_156, %get3A_157] {strides = array<i32>} : memref<8x512xi32, #tpu.memory_space<vmem>>, vector<16xi32>,
      tpu.vector_store_idx %arg5[%add3A_119, %get3A_158], %broadcast_in_dim3A_3 {add = true} : memref<512x10xf32, #tpu.memory_space<vmem>>[vector<16xi32>, vector<16xi32>], vector<16xf32>,
      %get3A_159 = arith.constant 5 : i32
      %get3A_160 = arith.index_cast %get3A_159 : i32 to index
      %get3A_161 = arith.index_cast %mul3A_117 : i32 to index
      %get3A_162 = tpu.vector_load %arg4[%get3A_160, %get3A_161] {strides = array<i32>} : memref<8x512xi32, #tpu.memory_space<vmem>>, vector<16xi32>,
      tpu.vector_store_idx %arg5[%add3A_119, %get3A_162], %broadcast_in_dim3A_3 {add = true} : memref<512x10xf32, #tpu.memory_space<vmem>>[vector<16xi32>, vector<16xi32>], vector<16xf32>,
      %get3A_163 = arith.constant 6 : i32
      %get3A_164 = arith.index_cast %get3A_163 : i32 to index
      %get3A_165 = arith.index_cast %mul3A_117 : i32 to index
      %get3A_166 = tpu.vector_load %arg4[%get3A_164, %get3A_165] {strides = array<i32>} : memref<8x512xi32, #tpu.memory_space<vmem>>, vector<16xi32>,
      tpu.vector_store_idx %arg5[%add3A_119, %get3A_166], %broadcast_in_dim3A_3 {add = true} : memref<512x10xf32, #tpu.memory_space<vmem>>[vector<16xi32>, vector<16xi32>], vector<16xf32>,
      %get3A_167 = arith.constant 7 : i32
      %get3A_168 = arith.index_cast %get3A_167 : i32 to index
      %get3A_169 = arith.index_cast %mul3A_117 : i32 to index
      %get3A_170 = tpu.vector_load %arg4[%get3A_168, %get3A_169] {strides = array<i32>} : memref<8x512xi32, #tpu.memory_space<vmem>>, vector<16xi32>,
      tpu.vector_store_idx %arg5[%add3A_119, %get3A_170], %broadcast_in_dim3A_3 {add = true} : memref<512x10xf32, #tpu.memory_space<vmem>>[vector<16xi32>, vector<16xi32>], vector<16xf32>,
    }
    %scan3A_63 = arith.constant 8 : i32
    %add3A_64 = arith.constant 384 : i32
    %add3A_65 = arith.addi %mul3A_2, %add3A_64 : i32
    %dma_start3A_66 = arith.constant 384 : i32
    %dma_start3A_67 = arith.constant 0 : i32
    %dma_start3A_68 = tpu.memref_slice %arg5[%dma_start3A_66, %dma_start3A_67] : memref<512x10xf32, #tpu.memory_space<vmem>> -> memref<128x10xf32, #tpu.memory_space<vmem>>
    %dma_start3A_69 = arith.constant 0 : i32
    %dma_start3A_70 = tpu.memref_slice %arg3[%add3A_65, %dma_start3A_69] : memref<16384x10xf32, #tpu.memory_space<hbm>> -> memref<128x10xf32, #tpu.memory_space<hbm>>
    %dma_start3A_71 = arith.constant 0 : i32
    %dma_start3A_72 = tpu.memref_slice %arg3[%add3A_65, %dma_start3A_71] : memref<16384x10xf32, #tpu.memory_space<hbm>> -> memref<128x10xf32, #tpu.memory_space<hbm>>
    %dma_start3A_73 = arith.constant 384 : i32
    %dma_start3A_74 = arith.constant 0 : i32
    %dma_start3A_75 = tpu.memref_slice %arg5[%dma_start3A_73, %dma_start3A_74] : memref<512x10xf32, #tpu.memory_space<vmem>> -> memref<128x10xf32, #tpu.memory_space<vmem>>
    tpu.enqueue_dma source(%dma_start3A_75 : memref<128x10xf32, #tpu.memory_space<vmem>>) target(%dma_start3A_72 : memref<128x10xf32, #tpu.memory_space<hbm>>) target_semaphore(%arg6 : memref<!tpu.dma_semaphore, #tpu.memory_space<semaphore_mem>>)
    %dma_wait3A = arith.constant 0 : i32
    %dma_wait3A_76 = arith.constant 0 : i32
    %dma_wait3A_77 = tpu.memref_slice %arg5[%dma_wait3A, %dma_wait3A_76] : memref<512x10xf32, #tpu.memory_space<vmem>> -> memref<128x10xf32, #tpu.memory_space<vmem>>
    %dma_wait3A_78 = arith.constant 0 : i32
    %dma_wait3A_79 = tpu.memref_slice %arg3[%add3A_12, %dma_wait3A_78] : memref<16384x10xf32, #tpu.memory_space<hbm>> -> memref<128x10xf32, #tpu.memory_space<hbm>>
    %dma_wait3A_80 = arith.constant 0 : i32
    %dma_wait3A_81 = tpu.memref_slice %arg3[%add3A_12, %dma_wait3A_80] : memref<16384x10xf32, #tpu.memory_space<hbm>> -> memref<128x10xf32, #tpu.memory_space<hbm>>
    %dma_wait3A_82 = arith.constant 0 : i32
    %dma_wait3A_83 = arith.constant 0 : i32
    %dma_wait3A_84 = tpu.memref_slice %arg5[%dma_wait3A_82, %dma_wait3A_83] : memref<512x10xf32, #tpu.memory_space<vmem>> -> memref<128x10xf32, #tpu.memory_space<vmem>>
    tpu.wait_dma2 semaphore(%arg6 : memref<!tpu.dma_semaphore, #tpu.memory_space<semaphore_mem>>) src(%dma_wait3A_84 : memref<128x10xf32, #tpu.memory_space<vmem>>) dst(%dma_wait3A_81 : memref<128x10xf32, #tpu.memory_space<hbm>>)
    %dma_wait3A_85 = arith.constant 128 : i32
    %dma_wait3A_86 = arith.constant 0 : i32
    %dma_wait3A_87 = tpu.memref_slice %arg5[%dma_wait3A_85, %dma_wait3A_86] : memref<512x10xf32, #tpu.memory_space<vmem>> -> memref<128x10xf32, #tpu.memory_space<vmem>>
    %dma_wait3A_88 = arith.constant 0 : i32
    %dma_wait3A_89 = tpu.memref_slice %arg3[%add3A_29, %dma_wait3A_88] : memref<16384x10xf32, #tpu.memory_space<hbm>> -> memref<128x10xf32, #tpu.memory_space<hbm>>
    %dma_wait3A_90 = arith.constant 0 : i32
    %dma_wait3A_91 = tpu.memref_slice %arg3[%add3A_29, %dma_wait3A_90] : memref<16384x10xf32, #tpu.memory_space<hbm>> -> memref<128x10xf32, #tpu.memory_space<hbm>>
    %dma_wait3A_92 = arith.constant 128 : i32
    %dma_wait3A_93 = arith.constant 0 : i32
    %dma_wait3A_94 = tpu.memref_slice %arg5[%dma_wait3A_92, %dma_wait3A_93] : memref<512x10xf32, #tpu.memory_space<vmem>> -> memref<128x10xf32, #tpu.memory_space<vmem>>
    tpu.wait_dma2 semaphore(%arg6 : memref<!tpu.dma_semaphore, #tpu.memory_space<semaphore_mem>>) src(%dma_wait3A_94 : memref<128x10xf32, #tpu.memory_space<vmem>>) dst(%dma_wait3A_91 : memref<128x10xf32, #tpu.memory_space<hbm>>)
    %dma_wait3A_95 = arith.constant 256 : i32
    %dma_wait3A_96 = arith.constant 0 : i32
    %dma_wait3A_97 = tpu.memref_slice %arg5[%dma_wait3A_95, %dma_wait3A_96] : memref<512x10xf32, #tpu.memory_space<vmem>> -> memref<128x10xf32, #tpu.memory_space<vmem>>
    %dma_wait3A_98 = arith.constant 0 : i32
    %dma_wait3A_99 = tpu.memref_slice %arg3[%add3A_47, %dma_wait3A_98] : memref<16384x10xf32, #tpu.memory_space<hbm>> -> memref<128x10xf32, #tpu.memory_space<hbm>>
    %dma_wait3A_100 = arith.constant 0 : i32
    %dma_wait3A_101 = tpu.memref_slice %arg3[%add3A_47, %dma_wait3A_100] : memref<16384x10xf32, #tpu.memory_space<hbm>> -> memref<128x10xf32, #tpu.memory_space<hbm>>
    %dma_wait3A_102 = arith.constant 256 : i32
    %dma_wait3A_103 = arith.constant 0 : i32
    %dma_wait3A_104 = tpu.memref_slice %arg5[%dma_wait3A_102, %dma_wait3A_103] : memref<512x10xf32, #tpu.memory_space<vmem>> -> memref<128x10xf32, #tpu.memory_space<vmem>>
    tpu.wait_dma2 semaphore(%arg6 : memref<!tpu.dma_semaphore, #tpu.memory_space<semaphore_mem>>) src(%dma_wait3A_104 : memref<128x10xf32, #tpu.memory_space<vmem>>) dst(%dma_wait3A_101 : memref<128x10xf32, #tpu.memory_space<hbm>>)
    %dma_wait3A_105 = arith.constant 384 : i32
    %dma_wait3A_106 = arith.constant 0 : i32
    %dma_wait3A_107 = tpu.memref_slice %arg5[%dma_wait3A_105, %dma_wait3A_106] : memref<512x10xf32, #tpu.memory_space<vmem>> -> memref<128x10xf32, #tpu.memory_space<vmem>>
    %dma_wait3A_108 = arith.constant 0 : i32
    %dma_wait3A_109 = tpu.memref_slice %arg3[%add3A_65, %dma_wait3A_108] : memref<16384x10xf32, #tpu.memory_space<hbm>> -> memref<128x10xf32, #tpu.memory_space<hbm>>
    %dma_wait3A_110 = arith.constant 0 : i32
    %dma_wait3A_111 = tpu.memref_slice %arg3[%add3A_65, %dma_wait3A_110] : memref<16384x10xf32, #tpu.memory_space<hbm>> -> memref<128x10xf32, #tpu.memory_space<hbm>>
    %dma_wait3A_112 = arith.constant 384 : i32
    %dma_wait3A_113 = arith.constant 0 : i32
    %dma_wait3A_114 = tpu.memref_slice %arg5[%dma_wait3A_112, %dma_wait3A_113] : memref<512x10xf32, #tpu.memory_space<vmem>> -> memref<128x10xf32, #tpu.memory_space<vmem>>
    tpu.wait_dma2 semaphore(%arg6 : memref<!tpu.dma_semaphore, #tpu.memory_space<semaphore_mem>>) src(%dma_wait3A_114 : memref<128x10xf32, #tpu.memory_space<vmem>>) dst(%dma_wait3A_111 : memref<128x10xf32, #tpu.memory_space<hbm>>)
    return
  }
}

module attributes {stable_mosaic.version = 14 : i64} {
  func.func @_tc_votes_body(%arg0: i32, %arg1: memref<4096x128xf32, #tpu.memory_space<vmem>>, %arg2: memref<8x128x16xf32, #tpu.memory_space<vmem>>, %arg3: memref<8x10xf32, #tpu.memory_space<vmem>>, %arg4: memref<8x4096xi32, #tpu.memory_space<vmem>>, %arg5: memref<128x128xf32, #tpu.memory_space<vmem>>) attributes {dimension_semantics = [#tpu.dimension_semantics<arbitrary>], iteration_bounds = array<i64: 4>, scalar_prefetch = 0 : i64, scratch_operands = 1 : i64, tpu.core_type = #tpu.core_type<tc>, window_params = [{transform_indices = @transform_0, window_bounds = array<i64: 4096, 128>}, {pipeline_mode = #tpu.pipeline_mode<synchronous>, transform_indices = @transform_1, window_bounds = array<i64: 8, 128, 16>}, {pipeline_mode = #tpu.pipeline_mode<synchronous>, transform_indices = @transform_2, window_bounds = array<i64: 8, 10>}, {transform_indices = @transform_3, window_bounds = array<i64: 8, 4096>}]} {
    %eq3A = arith.constant 0 : i32
    %eq3A_0 = arith.cmpi eq, %arg0, %eq3A : i32
    %convert_element_type3A = arith.extui %eq3A_0 : i1 to i32
    %cond3A = arith.constant 0 : i32
    %cond3A_1 = arith.cmpi ne, %convert_element_type3A, %cond3A : i32
    scf.if %cond3A_1 {
      %get3A_19 = arith.constant 0 : index
      %get3A_20 = arith.constant 0 : index
      %get3A_21 = arith.constant 0 : index
      %get3A_22 = vector.load %arg2[%get3A_19, %get3A_20, %get3A_21] : memref<8x128x16xf32, #tpu.memory_space<vmem>>, vector<1x128x16xf32>
      %get3A_23 = vector.shape_cast %get3A_22 : vector<1x128x16xf32> to vector<128x16xf32>
      %transpose3A_24 = tpu.transpose %get3A_23, [1, 0] : vector<128x16xf32> -> vector<16x128xf32>
      %get3A_25 = arith.constant 1 : index
      %get3A_26 = arith.constant 0 : index
      %get3A_27 = arith.constant 0 : index
      %get3A_28 = vector.load %arg2[%get3A_25, %get3A_26, %get3A_27] : memref<8x128x16xf32, #tpu.memory_space<vmem>>, vector<1x128x16xf32>
      %get3A_29 = vector.shape_cast %get3A_28 : vector<1x128x16xf32> to vector<128x16xf32>
      %transpose3A_30 = tpu.transpose %get3A_29, [1, 0] : vector<128x16xf32> -> vector<16x128xf32>
      %get3A_31 = arith.constant 2 : index
      %get3A_32 = arith.constant 0 : index
      %get3A_33 = arith.constant 0 : index
      %get3A_34 = vector.load %arg2[%get3A_31, %get3A_32, %get3A_33] : memref<8x128x16xf32, #tpu.memory_space<vmem>>, vector<1x128x16xf32>
      %get3A_35 = vector.shape_cast %get3A_34 : vector<1x128x16xf32> to vector<128x16xf32>
      %transpose3A_36 = tpu.transpose %get3A_35, [1, 0] : vector<128x16xf32> -> vector<16x128xf32>
      %get3A_37 = arith.constant 3 : index
      %get3A_38 = arith.constant 0 : index
      %get3A_39 = arith.constant 0 : index
      %get3A_40 = vector.load %arg2[%get3A_37, %get3A_38, %get3A_39] : memref<8x128x16xf32, #tpu.memory_space<vmem>>, vector<1x128x16xf32>
      %get3A_41 = vector.shape_cast %get3A_40 : vector<1x128x16xf32> to vector<128x16xf32>
      %transpose3A_42 = tpu.transpose %get3A_41, [1, 0] : vector<128x16xf32> -> vector<16x128xf32>
      %get3A_43 = arith.constant 4 : index
      %get3A_44 = arith.constant 0 : index
      %get3A_45 = arith.constant 0 : index
      %get3A_46 = vector.load %arg2[%get3A_43, %get3A_44, %get3A_45] : memref<8x128x16xf32, #tpu.memory_space<vmem>>, vector<1x128x16xf32>
      %get3A_47 = vector.shape_cast %get3A_46 : vector<1x128x16xf32> to vector<128x16xf32>
      %transpose3A_48 = tpu.transpose %get3A_47, [1, 0] : vector<128x16xf32> -> vector<16x128xf32>
      %get3A_49 = arith.constant 5 : index
      %get3A_50 = arith.constant 0 : index
      %get3A_51 = arith.constant 0 : index
      %get3A_52 = vector.load %arg2[%get3A_49, %get3A_50, %get3A_51] : memref<8x128x16xf32, #tpu.memory_space<vmem>>, vector<1x128x16xf32>
      %get3A_53 = vector.shape_cast %get3A_52 : vector<1x128x16xf32> to vector<128x16xf32>
      %transpose3A_54 = tpu.transpose %get3A_53, [1, 0] : vector<128x16xf32> -> vector<16x128xf32>
      %get3A_55 = arith.constant 6 : index
      %get3A_56 = arith.constant 0 : index
      %get3A_57 = arith.constant 0 : index
      %get3A_58 = vector.load %arg2[%get3A_55, %get3A_56, %get3A_57] : memref<8x128x16xf32, #tpu.memory_space<vmem>>, vector<1x128x16xf32>
      %get3A_59 = vector.shape_cast %get3A_58 : vector<1x128x16xf32> to vector<128x16xf32>
      %transpose3A_60 = tpu.transpose %get3A_59, [1, 0] : vector<128x16xf32> -> vector<16x128xf32>
      %get3A_61 = arith.constant 7 : index
      %get3A_62 = arith.constant 0 : index
      %get3A_63 = arith.constant 0 : index
      %get3A_64 = vector.load %arg2[%get3A_61, %get3A_62, %get3A_63] : memref<8x128x16xf32, #tpu.memory_space<vmem>>, vector<1x128x16xf32>
      %get3A_65 = vector.shape_cast %get3A_64 : vector<1x128x16xf32> to vector<128x16xf32>
      %transpose3A_66 = tpu.transpose %get3A_65, [1, 0] : vector<128x16xf32> -> vector<16x128xf32>
      %concatenate3A = tpu.concatenate %transpose3A_24, %transpose3A_30, %transpose3A_36, %transpose3A_42, %transpose3A_48, %transpose3A_54, %transpose3A_60, %transpose3A_66 in 0 : vector<16x128xf32>, vector<16x128xf32>, vector<16x128xf32>, vector<16x128xf32>, vector<16x128xf32>, vector<16x128xf32>, vector<16x128xf32>, vector<16x128xf32> -> vector<128x128xf32>
      %swap3A_67 = arith.constant 0 : index
      %swap3A_68 = arith.constant 0 : index
      %swap3A_69 = vector.load %arg5[%swap3A_67, %swap3A_68] : memref<128x128xf32, #tpu.memory_space<vmem>>, vector<128x128xf32>
      tpu.vector_store %arg5[%swap3A_67, %swap3A_68], %concatenate3A {strides = array<i32>} : memref<128x128xf32, #tpu.memory_space<vmem>>, vector<128x128xf32>,
    } else {
    }
    %get3A = arith.constant 0 : index
    %get3A_2 = arith.constant 0 : index
    %get3A_3 = vector.load %arg1[%get3A, %get3A_2] : memref<4096x128xf32, #tpu.memory_space<vmem>>, vector<4096x128xf32>
    %transpose3A = tpu.transpose %get3A_3, [1, 0] : vector<4096x128xf32> -> vector<128x4096xf32>
    %get3A_4 = arith.constant 0 : index
    %get3A_5 = arith.constant 0 : index
    %get3A_6 = vector.load %arg5[%get3A_4, %get3A_5] : memref<128x128xf32, #tpu.memory_space<vmem>>, vector<128x128xf32>
    %dot_general3A = arith.constant dense<0.000000e+00> : vector<128x4096xf32>
    %dot_general3A_7 = tpu.matmul %get3A_6, %transpose3A, %dot_general3A {dimension_numbers = #tpu.dot_dimension_numbers<[1], [0], [0], [1], [0, 0, 1, 1], [], []>, transpose_lhs_hint = false} : vector<128x128xf32>, vector<128x4096xf32>, vector<128x4096xf32> -> vector<128x4096xf32>
    %reshape3A = vector.shape_cast %dot_general3A_7 : vector<128x4096xf32> to vector<8x16x4096xf32>
    %slice3A = vector.extract_strided_slice %reshape3A {offsets = [0, 0, 0], sizes = [8, 10, 4096], strides = [1, 1, 1]} : vector<8x16x4096xf32> to vector<8x10x4096xf32>
    %get3A_8 = arith.constant 0 : index
    %get3A_9 = arith.constant 0 : index
    %get3A_10 = vector.load %arg3[%get3A_8, %get3A_9] : memref<8x10xf32, #tpu.memory_space<vmem>>, vector<8x10xf32>
    %broadcast_in_dim3A = vector.shape_cast %get3A_10 : vector<8x10xf32> to vector<8x10x1xf32>
    %add3A = vector.broadcast %broadcast_in_dim3A : vector<8x10x1xf32> to vector<8x10x4096xf32>
    %add3A_11 = arith.addf %slice3A, %add3A : vector<8x10x4096xf32>
    %reduce_max3A = arith.constant dense<0xFF800000> : vector<8x4096xf32>
    %reduce_max3A_12 = vector.multi_reduction <maximumf>, %add3A_11, %reduce_max3A [1] : vector<8x10x4096xf32> to vector<8x4096xf32>
    %broadcast_in_dim3A_13 = vector.shape_cast %reduce_max3A_12 : vector<8x4096xf32> to vector<8x1x4096xf32>
    %iota3A = tpu.iota {dimensions = array<i32: 1>} : vector<8x10x4096xi32>
    %ge3A = vector.broadcast %broadcast_in_dim3A_13 : vector<8x1x4096xf32> to vector<8x10x4096xf32>
    %ge3A_14 = arith.cmpf oge, %add3A_11, %ge3A : vector<8x10x4096xf32>
    %jit3A = arith.constant 10 : i32
    %broadcast_in_dim3A_15 = vector.broadcast %jit3A : i32 to vector<8x10x4096xi32>
    %select_n3A = arith.select %ge3A_14, %iota3A, %broadcast_in_dim3A_15 : vector<8x10x4096xi1>, vector<8x10x4096xi32>
    %reduce_min3A = arith.constant dense<2147483647> : vector<8x4096xi32>
    %reduce_min3A_16 = vector.multi_reduction <minsi>, %select_n3A, %reduce_min3A [1] : vector<8x10x4096xi32> to vector<8x4096xi32>
    %swap3A = arith.constant 0 : index
    %swap3A_17 = arith.constant 0 : index
    %swap3A_18 = vector.load %arg4[%swap3A, %swap3A_17] : memref<8x4096xi32, #tpu.memory_space<vmem>>, vector<8x4096xi32>
    tpu.vector_store %arg4[%swap3A, %swap3A_17], %reduce_min3A_16 {strides = array<i32>} : memref<8x4096xi32, #tpu.memory_space<vmem>>, vector<8x4096xi32>,
    return
  }
  func.func @transform_0(%arg0: i32) -> (i32, i32) {
    %c0_i32 = arith.constant 0 : i32
    %c0_i32_0 = arith.constant 0 : i32
    return %arg0, %c0_i32 : i32, i32
  }
  func.func @transform_1(%arg0: i32) -> (i32, i32, i32) {
    %c0_i32 = arith.constant 0 : i32
    %c0_i32_0 = arith.constant 0 : i32
    %c0_i32_1 = arith.constant 0 : i32
    %c0_i32_2 = arith.constant 0 : i32
    return %c0_i32, %c0_i32_0, %c0_i32_1 : i32, i32, i32
  }
  func.func @transform_2(%arg0: i32) -> (i32, i32) {
    %c0_i32 = arith.constant 0 : i32
    %c0_i32_0 = arith.constant 0 : i32
    %c0_i32_1 = arith.constant 0 : i32
    return %c0_i32, %c0_i32_0 : i32, i32
  }
  func.func @transform_3(%arg0: i32) -> (i32, i32) {
    %c0_i32 = arith.constant 0 : i32
    %c0_i32_0 = arith.constant 0 : i32
    return %c0_i32, %arg0 : i32, i32
  }
}

</mosaic_0001>

<sc_bundles>
// kernel: kernel.4.cloned.1.call-start
scs
__scs_entry_jumppad:
0x0: {  	(pc) =	sbr.rel $0x88, $3  }
0x1: {  	(tag) =	ssettag $0x0;
	lr =	simm.s32 $0x1  }
0x2: {  	[smem:$0x3F9E] =	sst lr;
	_ =	strace $0xD0000000  }
0x3: {  	_ = 	snop  }
0x4: {  	_ = 	snop  }
0x5: {  	_ = 	snop  }
0x6: {  	_ = 	snop  }
0x7: {  	_ = 	snop  }
__scs_overlays_trampoline_lowered:
0x8: {  	[smem:$0x3FAD] =	sst s0  }
0x9: {  	[smem:$0x3FAE] =	sst s1  }
0xa: {  	[smem:$0x3FAF] =	sst s2  }
0xb: {  	[smem:$0x3FB0] =	sst s3  }
0xc: {  	[smem:$0x3FB1] =	sst s4  }
0xd: {  	[smem:$0x3FB2] =	sst s5  }
0xe: {  	[smem:$0x3FB3] =	sst s6  }
0xf: {  	[smem:$0x3FB4] =	sst s7  }
0x10: {  	[smem:$0x3FB5] =	sst s8  }
0x11: {  	[smem:$0x3FB6] =	sst s9;
	s0 =	simm.s32 @!p0 $0x0  }
0x12: {  	s1 =	sld [smem:$0x3F9C];
	s0 =	simm.s32 @p0 $0x1  }
0x13: {  	[smem:$0x3FB7] =	sst s0;
	s0 =	simm.s32 @!p1 $0x0  }
0x14: {  	s2 =	sld [smem:$0x3F9B];
	s0 =	simm.s32 @p1 $0x1  }
0x15: {  	[smem:$0x3FB8] =	sst s0;
	s0 =	simm.s32 @!p2 $0x0  }
0x16: {  	s3 =	sld [smem:$0x3FDB];
	s0 =	simm.s32 @p2 $0x1  }
0x17: {  	s4 =	simm.s32 $0x1BF5;
	[smem:$0x3FBA] =	sst s0  }
0x18: {  	s0 =	sld [smem:$0x3F9D];
	_ =	swait.ge [sflag:s4], $0x0  }
0x19: {  	s7 =	sld [smem:$0x3F9E]  }
0x1a: {  	s8 =	sadd.s32 $0xFFFFE003, lr  }
0x1b: {  	s9 =	sadd.s32 $0xFFFFFEF7, lr;
	s5 =	simm.s32 $0xFFFFFFFF;
	p2 =	slt.u32 s8, $0xFFFFF086  }
0x1c: {  	p1 =	slt.u32 s9, $0xF7A;
	s5 =	simm.s32 @!p2 $0x0  }
0x1d: {  	s5 =	simm.s32 @p1 $0x1;
	p0 =	seq.s32 s7, s2  }
0x1e: {  	s7 =	smul.u32 @!p0 $0xF7A, s2;
	p2 =	seq.s32 @!p0 s5, $0x0  }
0x1f: {  	s9 =	smul.u32 $0xF7A, s1;
	s8 =	simm.s32 @!p0 $0x1BF5;
	p2 =	por !p2, p0  }
0x20: {  	[sflag:s8] =	ssyncset.s32 @!p0 $0xFFFFF086;
	s6 =	sadd.s32 @!p0 s3, s7;
	s7 =	simm.s32 @!p0 $0x108  }
0x21: {  	s3 =	sadd.s32 s3, s9;
	s6 =	sadd.s32 @!p0 $0x88, s6;
	s7 =	simm.s32 @p2 $0x1082  }
0x22: {  	[simem:s7], [sflag:s8] =	dma.local @!p0 [hbm:s6], $0xF7A  }
0x23: {  	s9 =	sor.u32 $0xD0000000, s2;
	s6 =	simm.s32 $0x108;
	_ =	swait.ge @!p0 [sflag:s8], $0x0  }
0x24: {  	s3 =	sadd.s32 $0x88, s3;
	s6 =	simm.s32 @!p1 $0x1082;
	[sflag:s4] =	ssyncset.s32 $0xFFFFF086  }
0x25: {  	[simem:s6], [sflag:s4] =	dma.local [hbm:s3], $0xF7A  }
0x26: {  	[smem:$0x3F9E] =	sst s1;
	(tag) =	ssettag s2;
	_ =	strace s9  }
0x27: {  	s1 =	sld [smem:$0x3FAE]  }
0x28: {  	s2 =	sld [smem:$0x3FAF]  }
0x29: {  	s4 =	sld [smem:$0x3FB1]  }
0x2a: {  	p0 =	seq.s32 s5, $0x0;
	s5 =	sld [smem:$0x3FB2]  }
0x2b: {  	s6 =	sld [smem:$0x3FB3]  }
0x2c: {  	s7 =	sld [smem:$0x3FB4]  }
0x2d: {  	s3 =	simm.s32 $0x108;
	s8 =	sld [smem:$0x3FB5]  }
0x2e: {  	s3 =	simm.s32 @!p0 $0x1082;
	s9 =	sld [smem:$0x3FB6]  }
0x2f: {  	lr =	sadd.s32 s0, s3;
	s0 =	sld [smem:$0x3FAD]  }
0x30: {  	s3 =	sld [smem:$0x3FB0]  }
0x31: {  	[smem:$0x3FB9] =	sst s10  }
0x32: {  	s10 =	sld [smem:$0x3FB7];
	_ =	sdelay $0x3  }
0x33: {  	p0 =	seq.s32 s10, $0x1;
	s10 =	sld [smem:$0x3FB9];
	_ =	sdelay $0x3  }
0x34: {  	[smem:$0x3FB9] =	sst s10  }
0x35: {  	s10 =	sld [smem:$0x3FB8];
	_ =	sdelay $0x3  }
0x36: {  	p1 =	seq.s32 s10, $0x1;
	s10 =	sld [smem:$0x3FB9];
	_ =	sdelay $0x3  }
0x37: {  	[smem:$0x3FB9] =	sst s10  }
0x38: {  	s10 =	sld [smem:$0x3FBA]  }
0x39: {  	_ = 	snop;
	(pc) =	sbr.ind lr, $3  }
0x3a: {  	_ = 	snop  }
0x3b: {  	_ = 	snop  }
0x3c: {  	p2 =	seq.s32 s10, $0x1;
	s10 =	sld [smem:$0x3FB9]  }
0x3d: {  	_ =	shalt  }
0x3e: {  	_ =	shalt  }
0x3f: {  	_ =	shalt  }
0x40: {  	_ =	shalt  }
0x41: {  	_ =	shalt  }
0x42: {  	_ =	shalt  }
0x43: {  	_ =	shalt  }
0x44: {  	_ =	shalt  }
0x45: {  	_ =	shalt  }
0x46: {  	_ =	shalt  }
0x47: {  	_ =	shalt  }
0x48: {  	_ =	shalt  }
0x49: {  	_ =	shalt  }
0x4a: {  	_ =	shalt  }
0x4b: {  	_ =	shalt  }
0x4c: {  	_ =	shalt  }
0x4d: {  	_ =	shalt  }
0x4e: {  	_ =	shalt  }
0x4f: {  	_ =	shalt  }
0x50: {  	_ =	shalt  }
0x51: {  	_ =	shalt  }
0x52: {  	_ =	shalt  }
0x53: {  	_ =	shalt  }
0x54: {  	_ =	shalt  }
0x55: {  	_ =	shalt  }
0x56: {  	_ =	shalt  }
0x57: {  	_ =	shalt  }
0x58: {  	_ =	shalt  }
0x59: {  	_ =	shalt  }
0x5a: {  	_ =	shalt  }
0x5b: {  	_ =	shalt  }
0x5c: {  	_ =	shalt  }
0x5d: {  	_ =	shalt  }
0x5e: {  	_ =	shalt  }
0x5f: {  	_ =	shalt  }
0x60: {  	_ =	shalt  }
0x61: {  	_ =	shalt  }
0x62: {  	_ =	shalt  }
0x63: {  	_ =	shalt  }
0x64: {  	_ =	shalt  }
0x65: {  	_ =	shalt  }
0x66: {  	_ =	shalt  }
0x67: {  	_ =	shalt  }
0x68: {  	_ =	shalt  }
0x69: {  	_ =	shalt  }
0x6a: {  	_ =	shalt  }
0x6b: {  	_ =	shalt  }
0x6c: {  	_ =	shalt  }
0x6d: {  	_ =	shalt  }
0x6e: {  	_ =	shalt  }
0x6f: {  	_ =	shalt  }
0x70: {  	_ =	shalt  }
0x71: {  	_ =	shalt  }
0x72: {  	_ =	shalt  }
0x73: {  	_ =	shalt  }
0x74: {  	_ =	shalt  }
0x75: {  	_ =	shalt  }
0x76: {  	_ =	shalt  }
0x77: {  	_ =	shalt  }
0x78: {  	_ =	shalt  }
0x79: {  	_ =	shalt  }
0x7a: {  	_ =	shalt  }
0x7b: {  	_ =	shalt  }
0x7c: {  	_ =	shalt  }
0x7d: {  	_ =	shalt  }
0x7e: {  	_ =	shalt  }
0x7f: {  	_ =	shalt  }
0x80: {  	_ =	shalt  }
0x81: {  	_ =	shalt  }
0x82: {  	_ =	shalt  }
0x83: {  	_ =	shalt  }
0x84: {  	_ =	shalt  }
0x85: {  	_ =	shalt  }
0x86: {  	_ =	shalt  }
0x87: {  	_ =	shalt  }
.Lfunc_end0:
.L_simem_size_0:
called_computation_lowered:
.L_overlay_start_0:
0x88: {  	s2 =	sld [smem:$0x3FD9]  }
0x89: {  	s3 =	sld [smem:$0x3FFE];
	_ =	sdelay $0x1  }
0x8a: {  	s1 =	srdreg.scid  }
0x8b: {  	s0 =	sand.u32 $0x1, s1  }
0x8c: {  	s17 =	sshll.u32 s0, $0xA;
	s2 =	sadd.s32 s3, s2  }
0x8d: {  	s2 =	sadd.s32 s2, s17  }
0x8e: {  	[smem:$0x3FC5] =	sst s2  }
0x8f: {  	_ = 	snop  }
0x90: {  	s2 =	sld [smem:$0x3FD0];
	(tm) =	ssettm $0x1  }
0x91: {  	s18 =	sld [smem:$0x3FFB];
	_ =	sdelay $0x3  }
0x92: {  	_ =	strace s18  }
0x93: {  	s3 =	sld [smem:$0x3FFC];
	_ =	sdelay $0x3  }
0x94: {  	_ =	strace s3  }
0x95: {  	s3 =	sld [smem:$0x3FFD];
	_ =	sdelay $0x3  }
0x96: {  	_ =	strace s3  }
0x97: {  	_ =	strace $0x8FFFFFFF  }
0x98: {  	s19 =	sld [smem:$0x3FDB];
	_ =	sdelay $0x1  }
0x99: {  	s4 =	simm.s32 $_scs_section_size  }
0x9a: {  	s5 =	simm.s32 $_size__tile_overlayer_lowered;
	s6 =	simm.s32 $_tile_overlayer_lowered  }
0x9b: {  	s22 =	simm.s32 $0x1BFF;
	s21 =	sshll.u32 s6, $0x1;
	s3 =	sadd.s32 s4, s19  }
0x9c: {  	s7 =	simm.s32 $0x0;
	s20 =	sshll.u32 s5, $0x1;
	s5 =	sadd.s32 s21, s3  }
0x9d: {  	[timem:s7], [sflag:s22] =	dma.local [hbm:s5], s20  }
0x9e: {  	_ =	swait.ge [sflag:s22], s20  }
0x9f: {  	s4 =	ssub.s32 $0x0, s20;
	[sflag:s22] =	ssyncset.done $0x0  }
0xa0: {  	[sflag:s22] =	ssyncadd.s32 s4;
	_ =	sdelay $0x1  }
0xa1: {  	s23 =	simm.s32 $0x1B8B  }
0xa2: {  	_ =	swait.ge [sflag:s23], $0x1  }
0xa3: {  	[sflag:s23] =	ssyncset.done $0x0  }
0xa4: {  	s25 =	simm.s32 $0x1B8E;
	s24 =	sld [smem:$0x3FFE];
	[sflag:s23] =	ssyncadd.s32 $0xFFFFFFFF  }
0xa5: {  	s26 =	simm.s32 $execute0_lowered;
	[smem:$0x3FD2] =	sst s25  }
0xa6: {  	s5 =	sshll.u32 s26, $0x1;
	_ =	strace $0x80000046;
	[dreg:$0x1] =	wrdreg $0xFFFFFFFF  }
0xa7: {  	s28 =	simm.s32 $_size_execute0_lowered;
	s3 =	sadd.s32 s3, s5;
	[dreg:$0x0] =	wrdreg $0x0  }
0xa8: {  	s5 =	sshll.u32 s28, $0x1;
	[dreg:$0x2] =	wrdreg s3  }
0xa9: {  	[dreg:$0x3] =	wrdreg s5  }
0xaa: {  	[dreg:$0x4] =	wrdreg $0xC0  }
0xab: {  	_ =	task [dreg:s7], $0x5FFFF  }
0xac: {  	[dreg:$0x1] =	wrdreg $0xFFFFFFFF  }
0xad: {  	[dreg:$0x0] =	wrdreg $0x60  }
0xae: {  	[dreg:$0x2] =	wrdreg s2  }
0xaf: {  	[dreg:$0x3] =	wrdreg s24  }
0xb0: {  	[dreg:$0x4] =	wrdreg $0x9  }
0xb1: {  	_ =	task.clear_ibuf [dreg:s7], $0x5FFFF;
	_ =	strace $0x90000046  }
0xb2: {  	s29 =	simm.s32 $0x9;
	_ =	strace $0x80000048  }
0xb3: {  	_ =	swait.ge [sflag:s29], $0x1  }
0xb4: {  	[sflag:s29] =	ssyncadd.s32 $0xFFFFFFFF  }
0xb5: {  	_ =	strace $0x90000048  }
0xb6: {  	_ =	sfence  }
0xb7: {  	s30 =	sld [smem:$0x0];
	_ =	sdelay $0x2  }
0xb8: {  	s31 =	sshll.u32 s1, $0xD;
	s1 =	sshrl.u32 s1, $0x2  }
0xb9: {  	s3 =	sand.u32 $0x4000, s31;
	s1 =	sadd.s32 s1, s30  }
0xba: {  	s0 =	sor.u32 s3, s0;
	s1 =	sshll.u32 s1, $0x11  }
0xbb: {  	s0 =	sor.u32 s1, s0  }
0xbc: {  	s0 =	sadd.s32 $0x8F2B, s0  }
0xbd: {  	[sflag:s0] =	ssyncadd.remote.s32 $0x1  }
0xbe: {  	_ =	sfence.sel $0xFFFF  }
0xbf: {  	[dreg:$0x0] =	wrdreg $0xFFFFFFFF;
	(pc) =	sbr.abs _section_cstart, $3  }
0xc0: {  	[dreg:$0x1] =	wrdreg $0xFFFFFFFF  }
0xc1: {  	_ =	task.clear_ibuf [dreg:s7], $0x2FFFF;
	_ =	strace $0x9FFFFFFF  }
0xc2: {  	(tm) =	ssettm $0x7FFFFFFF  }
0xc3: {  	_ =	shalt  }
tec
execute0_lowered:
.L_overlay_start_1:
0x0: {  	(tag) =	ssettag $0x1  }
0x1: {  	s3 =	rddreg [dreg:$0x0]  }
0x2: {  	s4 =	rddreg [dreg:$0x1];
	s2 =	srdreg.scid  }
0x3: {  	s0 =	rddreg [dreg:$0x2];
	s1 =	stileid.u32;
	s9 =	simm.s32 $0x2  }
0x4: {  	s10 =	simm.s32 $0x1000;
	s11 =	simm.s32 $0x5000;
	s12 =	simm.s32 $0x9000  }
0x5: {  	s13 =	simm.s32 $0xD000;
	s14 =	simm.s32 $0x1;
	s5 =	sand.u32 $0x1, s2  }
0x6: {  	s15 =	simm.s32 $0x0;
	s6 =	sshll.u32 s1, $0xA;
	s7 =	sshll.u32 s5, $0x9  }
0x7: {  	s2 =	simm.s32 $0x0;
	s5 =	ssub.s32 $0x2, s5;
	s6 =	sor.u32 s7, s6  }
0x8: {  	[smem:$0x7FF] =	sst s2;
	s8 =	sshrl.u32 s5, $0x1;
	s7 =	sshll.u32 s6, $0x4  }
0x9: {  	_ =	strace $0x80000047;
	s8 =	ssub.s32 s5, s8;
	s7 =	sadd.s32 s7, s4  }
0xa: {  	v0 =	vlaneseq.u32;
	s3 =	sadd.s32 s3, s6;
	s8 =	smax.u32 s8, $0x1;
	s4 =	sadd.s32 $0xA00, s7  }
0xb: {  	v1 =	vimm.f32 $0.0e+00;
	v2 =	vimm.f32 $1.000000000e+00;
	v0 =	vmul.u32 $0x80, v0;
	s5 =	sadd.s32 $0x1200, s7;
	s6 =	sadd.s32 $0x1A00, s7;
	s7 =	sadd.s32 $0x2200, s7  }
.LBB2_1:
0xc: {  	[tilespmem:s2], [sflag:$0x2] =	stream.linear.gather [hbm4b:s3+s2], $0x1000, $0x38;
	[tilespmem:$0x11000] =	vst v63  }
0xd: {  	_ =	swait.ge [sflag:s9], $0x1000  }
0xe: {  	[sflag:s9] =	ssyncset.done $0x0  }
0xf: {  	s16 =	simm.s32 $0x200;
	s17 =	simm.s32 $0x0;
	[sflag:s9] =	ssyncadd.s32 $0xFFFFF000  }
.LBB2_2:
0x10: {  	v3 =	vmov s17  }
0x11: {  	v3 =	vshll.u32 v3, $0x7  }
0x12: {  	v3 =	vor.u32 v0, v3  }
0x13: {  	v4 =	vor.u32 $0x1, v3  }
0x14: {  	v5 =	vor.u32 $0x2, v3  }
0x15: {  	v6 =	vor.u32 $0x3, v3  }
0x16: {  	v7 =	vor.u32 $0x4, v3  }
0x17: {  	v8 =	vor.u32 $0x5, v3;
	[tilespmem:v3+s10+$0x0] =	vst.idx.msk $0xffff, v1  }
0x18: {  	v52 =	vor.u32 $0x6, v3;
	[tilespmem:v4+s10+$0x0] =	vst.idx.msk $0xffff, v1  }
0x19: {  	v53 =	vor.u32 $0x7, v3;
	[tilespmem:v5+s10+$0x0] =	vst.idx.msk $0xffff, v1  }
0x1a: {  	v54 =	vor.u32 $0x8, v3;
	[tilespmem:v6+s10+$0x0] =	vst.idx.msk $0xffff, v1  }
0x1b: {  	v55 =	vor.u32 $0x9, v3;
	[tilespmem:v7+s10+$0x0] =	vst.idx.msk $0xffff, v1  }
0x1c: {  	[tilespmem:v8+s10+$0x0] =	vst.idx.msk $0xffff, v1  }
0x1d: {  	[tilespmem:v52+s10+$0x0] =	vst.idx.msk $0xffff, v1  }
0x1e: {  	[tilespmem:v53+s10+$0x0] =	vst.idx.msk $0xffff, v1  }
0x1f: {  	[tilespmem:v54+s10+$0x0] =	vst.idx.msk $0xffff, v1  }
0x20: {  	[tilespmem:v55+s10+$0x0] =	vst.idx.msk $0xffff, v1  }
0x21: {  	v4 =	vld [tilespmem:s16+$0xFFFFFE00];
	_ =	sdelay $0x4  }
0x22: {  	v56 =	vand.u32 $0xFFFFFF80, v4  }
0x23: {  	v4 =	vand.u32 $0x7F, v4;
	v5 =	vadd.s32 v3, v56  }
0x24: {  	v4 =	vor.u32 v4, v5;
	_ =	sdelay $0x4  }
0x25: {  	[tilespmem:v4+s10+$0x0] =	vst.idx.add.f32.msk $0xffff, v2  }
0x26: {  	v4 =	vld [tilespmem:s16+$0xFFFFFE80];
	_ =	sdelay $0x4  }
0x27: {  	v57 =	vand.u32 $0xFFFFFF80, v4  }
0x28: {  	v4 =	vand.u32 $0x7F, v4;
	v5 =	vadd.s32 v3, v57  }
0x29: {  	v4 =	vor.u32 v4, v5;
	_ =	sdelay $0x4  }
0x2a: {  	[tilespmem:v4+s10+$0x0] =	vst.idx.add.f32.msk $0xffff, v2  }
0x2b: {  	v4 =	vld [tilespmem:s16+$0xFFFFFF00];
	_ =	sdelay $0x4  }
0x2c: {  	v58 =	vand.u32 $0xFFFFFF80, v4  }
0x2d: {  	v4 =	vand.u32 $0x7F, v4;
	v5 =	vadd.s32 v3, v58  }
0x2e: {  	v4 =	vor.u32 v4, v5;
	_ =	sdelay $0x4  }
0x2f: {  	[tilespmem:v4+s10+$0x0] =	vst.idx.add.f32.msk $0xffff, v2  }
0x30: {  	v4 =	vld [tilespmem:s16+$0xFFFFFF80];
	_ =	sdelay $0x4  }
0x31: {  	v59 =	vand.u32 $0xFFFFFF80, v4  }
0x32: {  	v4 =	vand.u32 $0x7F, v4;
	v5 =	vadd.s32 v3, v59  }
0x33: {  	v4 =	vor.u32 v4, v5;
	_ =	sdelay $0x4  }
0x34: {  	[tilespmem:v4+s10+$0x0] =	vst.idx.add.f32.msk $0xffff, v2  }
0x35: {  	v4 =	vld [tilespmem:s16+$0x0];
	_ =	sdelay $0x4  }
0x36: {  	v60 =	vand.u32 $0xFFFFFF80, v4  }
0x37: {  	v4 =	vand.u32 $0x7F, v4;
	v5 =	vadd.s32 v3, v60  }
0x38: {  	v4 =	vor.u32 v4, v5;
	_ =	sdelay $0x4  }
0x39: {  	[tilespmem:v4+s10+$0x0] =	vst.idx.add.f32.msk $0xffff, v2  }
0x3a: {  	v4 =	vld [tilespmem:s16+$0x80];
	_ =	sdelay $0x4  }
0x3b: {  	v61 =	vand.u32 $0xFFFFFF80, v4  }
0x3c: {  	v4 =	vand.u32 $0x7F, v4;
	v5 =	vadd.s32 v3, v61  }
0x3d: {  	v4 =	vor.u32 v4, v5;
	_ =	sdelay $0x4  }
0x3e: {  	[tilespmem:v4+s10+$0x0] =	vst.idx.add.f32.msk $0xffff, v2  }
0x3f: {  	v4 =	vld [tilespmem:s16+$0x100];
	_ =	sdelay $0x4  }
0x40: {  	v62 =	vand.u32 $0xFFFFFF80, v4  }
0x41: {  	v4 =	vand.u32 $0x7F, v4;
	v5 =	vadd.s32 v3, v62  }
0x42: {  	v4 =	vor.u32 v4, v5;
	_ =	sdelay $0x4  }
0x43: {  	[tilespmem:v4+s10+$0x0] =	vst.idx.add.f32.msk $0xffff, v2  }
0x44: {  	v4 =	vld [tilespmem:s16+$0x180];
	_ =	sdelay $0x4  }
0x45: {  	v63 =	vand.u32 $0xFFFFFF80, v4  }
0x46: {  	v4 =	vand.u32 $0x7F, v4;
	v3 =	vadd.s32 v3, v63  }
0x47: {  	p0 =	sne.s32 s17, $0x70;
	v3 =	vor.u32 v4, v3  }
.Ltmp0:
0x48: {  	_ = 	snop;
	(pc) =	sbr.rel @p0 .LBB2_2-.Ltmp0, $2  }
0x49: {  	_ =	sdelay $0x2  }
0x4a: {  	s17 =	sadd.s32 $0x10, s17;
	s16 =	sadd.s32 $0x10, s16;
	[tilespmem:v3+s10+$0x0] =	vst.idx.add.f32.msk $0xffff, v2  }
0x4b: {  	s16 =	simm.s32 $0x0;
	s17 =	simm.s32 $0x400;
	s18 =	simm.s32 $0x80  }
0x4c: {  	[hbm4b:s4+s16] =	stream.linear.scatter [tilespmem:s10], [sflag:$0x1], $0x4000, $0x38;
	[tilespmem:$0x11000] =	vst v63  }
.LBB2_4:
0x4d: {  	v3 =	vmov s18  }
0x4e: {  	v3 =	vshll.u32 v3, $0x7  }
0x4f: {  	v3 =	vor.u32 v0, v3  }
0x50: {  	v4 =	vor.u32 $0x1, v3  }
0x51: {  	v5 =	vor.u32 $0x2, v3  }
0x52: {  	v6 =	vor.u32 $0x3, v3  }
0x53: {  	v7 =	vor.u32 $0x4, v3  }
0x54: {  	v8 =	vor.u32 $0x5, v3;
	[tilespmem:v3+s10+$0x0] =	vst.idx.msk $0xffff, v1  }
0x55: {  	v52 =	vor.u32 $0x6, v3;
	[tilespmem:v4+s10+$0x0] =	vst.idx.msk $0xffff, v1  }
0x56: {  	v53 =	vor.u32 $0x7, v3;
	[tilespmem:v5+s10+$0x0] =	vst.idx.msk $0xffff, v1  }
0x57: {  	v54 =	vor.u32 $0x8, v3;
	[tilespmem:v6+s10+$0x0] =	vst.idx.msk $0xffff, v1  }
0x58: {  	v55 =	vor.u32 $0x9, v3;
	[tilespmem:v7+s10+$0x0] =	vst.idx.msk $0xffff, v1  }
0x59: {  	[tilespmem:v8+s10+$0x0] =	vst.idx.msk $0xffff, v1  }
0x5a: {  	[tilespmem:v52+s10+$0x0] =	vst.idx.msk $0xffff, v1  }
0x5b: {  	[tilespmem:v53+s10+$0x0] =	vst.idx.msk $0xffff, v1  }
0x5c: {  	s19 =	sand.u32 $0x3FFFFC00, s17;
	s20 =	sshra.s32 s16, $0x2;
	[tilespmem:v54+s10+$0x0] =	vst.idx.msk $0xffff, v1  }
0x5d: {  	s19 =	sadd.s32 s20, s19;
	[tilespmem:v55+s10+$0x0] =	vst.idx.msk $0xffff, v1  }
0x5e: {  	v4 =	vld [tilespmem:s19+$0x0];
	_ =	sdelay $0x4  }
0x5f: {  	v56 =	vand.u32 $0xFFFFFF80, v4  }
0x60: {  	v4 =	vand.u32 $0x7F, v4;
	v5 =	vadd.s32 v3, v56  }
0x61: {  	v4 =	vor.u32 v4, v5;
	_ =	sdelay $0x4  }
0x62: {  	[tilespmem:v4+s10+$0x0] =	vst.idx.add.f32.msk $0xffff, v2  }
0x63: {  	v4 =	vld [tilespmem:s19+$0x80];
	_ =	sdelay $0x4  }
0x64: {  	v57 =	vand.u32 $0xFFFFFF80, v4  }
0x65: {  	v4 =	vand.u32 $0x7F, v4;
	v5 =	vadd.s32 v3, v57  }
0x66: {  	v4 =	vor.u32 v4, v5;
	_ =	sdelay $0x4  }
0x67: {  	[tilespmem:v4+s10+$0x0] =	vst.idx.add.f32.msk $0xffff, v2  }
0x68: {  	v4 =	vld [tilespmem:s19+$0x100];
	_ =	sdelay $0x4  }
0x69: {  	v58 =	vand.u32 $0xFFFFFF80, v4  }
0x6a: {  	v4 =	vand.u32 $0x7F, v4;
	v5 =	vadd.s32 v3, v58  }
0x6b: {  	v4 =	vor.u32 v4, v5;
	_ =	sdelay $0x4  }
0x6c: {  	[tilespmem:v4+s10+$0x0] =	vst.idx.add.f32.msk $0xffff, v2  }
0x6d: {  	v4 =	vld [tilespmem:s19+$0x180];
	_ =	sdelay $0x4  }
0x6e: {  	v59 =	vand.u32 $0xFFFFFF80, v4  }
0x6f: {  	v4 =	vand.u32 $0x7F, v4;
	v5 =	vadd.s32 v3, v59  }
0x70: {  	v4 =	vor.u32 v4, v5;
	_ =	sdelay $0x4  }
0x71: {  	[tilespmem:v4+s10+$0x0] =	vst.idx.add.f32.msk $0xffff, v2  }
0x72: {  	v4 =	vld [tilespmem:s19+$0x200];
	_ =	sdelay $0x4  }
0x73: {  	v60 =	vand.u32 $0xFFFFFF80, v4  }
0x74: {  	v4 =	vand.u32 $0x7F, v4;
	v5 =	vadd.s32 v3, v60  }
0x75: {  	v4 =	vor.u32 v4, v5;
	_ =	sdelay $0x4  }
0x76: {  	[tilespmem:v4+s10+$0x0] =	vst.idx.add.f32.msk $0xffff, v2  }
0x77: {  	v4 =	vld [tilespmem:s19+$0x280];
	_ =	sdelay $0x4  }
0x78: {  	v61 =	vand.u32 $0xFFFFFF80, v4  }
0x79: {  	v4 =	vand.u32 $0x7F, v4;
	v5 =	vadd.s32 v3, v61  }
0x7a: {  	v4 =	vor.u32 v4, v5;
	_ =	sdelay $0x4  }
0x7b: {  	[tilespmem:v4+s10+$0x0] =	vst.idx.add.f32.msk $0xffff, v2  }
0x7c: {  	v4 =	vld [tilespmem:s19+$0x300];
	_ =	sdelay $0x4  }
0x7d: {  	v62 =	vand.u32 $0xFFFFFF80, v4  }
0x7e: {  	v4 =	vand.u32 $0x7F, v4;
	v5 =	vadd.s32 v3, v62  }
0x7f: {  	v4 =	vor.u32 v4, v5;
	_ =	sdelay $0x3  }
0x80: {  	s31 =	sor.u32 s17, s18  }
0x81: {  	s19 =	sor.u32 $0x380, s31;
	[tilespmem:v4+s10+$0x0] =	vst.idx.add.f32.msk $0xffff, v2  }
0x82: {  	v4 =	vld [tilespmem:s19+$0x0];
	_ =	sdelay $0x4  }
0x83: {  	v63 =	vand.u32 $0xFFFFFF80, v4  }
0x84: {  	v4 =	vand.u32 $0x7F, v4;
	v3 =	vadd.s32 v3, v63  }
0x85: {  	p0 =	sne.s32 s16, $0x1C0;
	v3 =	vor.u32 v4, v3  }
.Ltmp1:
0x86: {  	_ = 	snop;
	(pc) =	sbr.rel @p0 .LBB2_4-.Ltmp1, $2  }
0x87: {  	_ =	sdelay $0x2  }
0x88: {  	s17 =	sadd.s32 $0x80, s17;
	s18 =	sadd.s32 $0x10, s18;
	s16 =	sadd.s32 $0x40, s16;
	[tilespmem:v3+s10+$0x0] =	vst.idx.add.f32.msk $0xffff, v2  }
0x89: {  	s16 =	simm.s32 $0x0;
	s17 =	simm.s32 $0x800;
	s18 =	simm.s32 $0x100  }
0x8a: {  	[hbm4b:s5+s16] =	stream.linear.scatter [tilespmem:s11], [sflag:$0x1], $0x4000, $0x38;
	[tilespmem:$0x11000] =	vst v63  }
.LBB2_6:
0x8b: {  	v3 =	vmov s18  }
0x8c: {  	v3 =	vshll.u32 v3, $0x7  }
0x8d: {  	v3 =	vor.u32 v0, v3  }
0x8e: {  	v4 =	vor.u32 $0x1, v3  }
0x8f: {  	v5 =	vor.u32 $0x2, v3  }
0x90: {  	v6 =	vor.u32 $0x3, v3  }
0x91: {  	v7 =	vor.u32 $0x4, v3  }
0x92: {  	v8 =	vor.u32 $0x5, v3;
	[tilespmem:v3+s10+$0x0] =	vst.idx.msk $0xffff, v1  }
0x93: {  	v52 =	vor.u32 $0x6, v3;
	[tilespmem:v4+s10+$0x0] =	vst.idx.msk $0xffff, v1  }
0x94: {  	v53 =	vor.u32 $0x7, v3;
	[tilespmem:v5+s10+$0x0] =	vst.idx.msk $0xffff, v1  }
0x95: {  	v54 =	vor.u32 $0x8, v3;
	[tilespmem:v6+s10+$0x0] =	vst.idx.msk $0xffff, v1  }
0x96: {  	v55 =	vor.u32 $0x9, v3;
	[tilespmem:v7+s10+$0x0] =	vst.idx.msk $0xffff, v1  }
0x97: {  	[tilespmem:v8+s10+$0x0] =	vst.idx.msk $0xffff, v1  }
0x98: {  	[tilespmem:v52+s10+$0x0] =	vst.idx.msk $0xffff, v1  }
0x99: {  	[tilespmem:v53+s10+$0x0] =	vst.idx.msk $0xffff, v1  }
0x9a: {  	s19 =	sand.u32 $0x3FFFFC00, s17;
	s20 =	sshra.s32 s16, $0x2;
	[tilespmem:v54+s10+$0x0] =	vst.idx.msk $0xffff, v1  }
0x9b: {  	s19 =	sadd.s32 s20, s19;
	[tilespmem:v55+s10+$0x0] =	vst.idx.msk $0xffff, v1  }
0x9c: {  	v4 =	vld [tilespmem:s19+$0x0];
	_ =	sdelay $0x4  }
0x9d: {  	v56 =	vand.u32 $0xFFFFFF80, v4  }
0x9e: {  	v4 =	vand.u32 $0x7F, v4;
	v5 =	vadd.s32 v3, v56  }
0x9f: {  	v4 =	vor.u32 v4, v5;
	_ =	sdelay $0x4  }
0xa0: {  	[tilespmem:v4+s10+$0x0] =	vst.idx.add.f32.msk $0xffff, v2  }
0xa1: {  	v4 =	vld [tilespmem:s19+$0x80];
	_ =	sdelay $0x4  }
0xa2: {  	v57 =	vand.u32 $0xFFFFFF80, v4  }
0xa3: {  	v4 =	vand.u32 $0x7F, v4;
	v5 =	vadd.s32 v3, v57  }
0xa4: {  	v4 =	vor.u32 v4, v5;
	_ =	sdelay $0x4  }
0xa5: {  	[tilespmem:v4+s10+$0x0] =	vst.idx.add.f32.msk $0xffff, v2  }
0xa6: {  	v4 =	vld [tilespmem:s19+$0x100];
	_ =	sdelay $0x4  }
0xa7: {  	v58 =	vand.u32 $0xFFFFFF80, v4  }
0xa8: {  	v4 =	vand.u32 $0x7F, v4;
	v5 =	vadd.s32 v3, v58  }
0xa9: {  	v4 =	vor.u32 v4, v5;
	_ =	sdelay $0x4  }
0xaa: {  	[tilespmem:v4+s10+$0x0] =	vst.idx.add.f32.msk $0xffff, v2  }
0xab: {  	v4 =	vld [tilespmem:s19+$0x180];
	_ =	sdelay $0x4  }
0xac: {  	v59 =	vand.u32 $0xFFFFFF80, v4  }
0xad: {  	v4 =	vand.u32 $0x7F, v4;
	v5 =	vadd.s32 v3, v59  }
0xae: {  	v4 =	vor.u32 v4, v5;
	_ =	sdelay $0x4  }
0xaf: {  	[tilespmem:v4+s10+$0x0] =	vst.idx.add.f32.msk $0xffff, v2  }
0xb0: {  	v4 =	vld [tilespmem:s19+$0x200];
	_ =	sdelay $0x4  }
0xb1: {  	v60 =	vand.u32 $0xFFFFFF80, v4  }
0xb2: {  	v4 =	vand.u32 $0x7F, v4;
	v5 =	vadd.s32 v3, v60  }
0xb3: {  	v4 =	vor.u32 v4, v5;
	_ =	sdelay $0x4  }
0xb4: {  	[tilespmem:v4+s10+$0x0] =	vst.idx.add.f32.msk $0xffff, v2  }
0xb5: {  	v4 =	vld [tilespmem:s19+$0x280];
	_ =	sdelay $0x4  }
0xb6: {  	v61 =	vand.u32 $0xFFFFFF80, v4  }
0xb7: {  	v4 =	vand.u32 $0x7F, v4;
	v5 =	vadd.s32 v3, v61  }
0xb8: {  	v4 =	vor.u32 v4, v5;
	_ =	sdelay $0x4  }
0xb9: {  	[tilespmem:v4+s10+$0x0] =	vst.idx.add.f32.msk $0xffff, v2  }
0xba: {  	v4 =	vld [tilespmem:s19+$0x300];
	_ =	sdelay $0x4  }
0xbb: {  	v62 =	vand.u32 $0xFFFFFF80, v4  }
0xbc: {  	v4 =	vand.u32 $0x7F, v4;
	v5 =	vadd.s32 v3, v62  }
0xbd: {  	v4 =	vor.u32 v4, v5;
	_ =	sdelay $0x3  }
0xbe: {  	s31 =	sor.u32 s17, s18  }
0xbf: {  	s19 =	sor.u32 $0x380, s31;
	[tilespmem:v4+s10+$0x0] =	vst.idx.add.f32.msk $0xffff, v2  }
0xc0: {  	v4 =	vld [tilespmem:s19+$0x0];
	_ =	sdelay $0x4  }
0xc1: {  	v63 =	vand.u32 $0xFFFFFF80, v4  }
0xc2: {  	v4 =	vand.u32 $0x7F, v4;
	v3 =	vadd.s32 v3, v63  }
0xc3: {  	p0 =	sne.s32 s16, $0x1C0;
	v3 =	vor.u32 v4, v3  }
.Ltmp2:
0xc4: {  	_ = 	snop;
	(pc) =	sbr.rel @p0 .LBB2_6-.Ltmp2, $2  }
0xc5: {  	_ =	sdelay $0x2  }
0xc6: {  	s17 =	sadd.s32 $0x80, s17;
	s18 =	sadd.s32 $0x10, s18;
	s16 =	sadd.s32 $0x40, s16;
	[tilespmem:v3+s10+$0x0] =	vst.idx.add.f32.msk $0xffff, v2  }
0xc7: {  	s16 =	simm.s32 $0x0;
	s17 =	simm.s32 $0xC00;
	s18 =	simm.s32 $0x180  }
0xc8: {  	[hbm4b:s6+s16] =	stream.linear.scatter [tilespmem:s12], [sflag:$0x1], $0x4000, $0x38;
	[tilespmem:$0x11000] =	vst v63  }
.LBB2_8:
0xc9: {  	v3 =	vmov s18  }
0xca: {  	v3 =	vshll.u32 v3, $0x7  }
0xcb: {  	v3 =	vor.u32 v0, v3  }
0xcc: {  	v4 =	vor.u32 $0x1, v3  }
0xcd: {  	v5 =	vor.u32 $0x2, v3  }
0xce: {  	v6 =	vor.u32 $0x3, v3  }
0xcf: {  	v7 =	vor.u32 $0x4, v3  }
0xd0: {  	v8 =	vor.u32 $0x5, v3;
	[tilespmem:v3+s10+$0x0] =	vst.idx.msk $0xffff, v1  }
0xd1: {  	v52 =	vor.u32 $0x6, v3;
	[tilespmem:v4+s10+$0x0] =	vst.idx.msk $0xffff, v1  }
0xd2: {  	v53 =	vor.u32 $0x7, v3;
	[tilespmem:v5+s10+$0x0] =	vst.idx.msk $0xffff, v1  }
0xd3: {  	v54 =	vor.u32 $0x8, v3;
	[tilespmem:v6+s10+$0x0] =	vst.idx.msk $0xffff, v1  }
0xd4: {  	v55 =	vor.u32 $0x9, v3;
	[tilespmem:v7+s10+$0x0] =	vst.idx.msk $0xffff, v1  }
0xd5: {  	[tilespmem:v8+s10+$0x0] =	vst.idx.msk $0xffff, v1  }
0xd6: {  	[tilespmem:v52+s10+$0x0] =	vst.idx.msk $0xffff, v1  }
0xd7: {  	[tilespmem:v53+s10+$0x0] =	vst.idx.msk $0xffff, v1  }
0xd8: {  	s19 =	sand.u32 $0x3FFFFC00, s17;
	s20 =	sshra.s32 s16, $0x2;
	[tilespmem:v54+s10+$0x0] =	vst.idx.msk $0xffff, v1  }
0xd9: {  	s19 =	sadd.s32 s20, s19;
	[tilespmem:v55+s10+$0x0] =	vst.idx.msk $0xffff, v1  }
0xda: {  	v4 =	vld [tilespmem:s19+$0x0];
	_ =	sdelay $0x4  }
0xdb: {  	v56 =	vand.u32 $0xFFFFFF80, v4  }
0xdc: {  	v4 =	vand.u32 $0x7F, v4;
	v5 =	vadd.s32 v3, v56  }
0xdd: {  	v4 =	vor.u32 v4, v5;
	_ =	sdelay $0x4  }
0xde: {  	[tilespmem:v4+s10+$0x0] =	vst.idx.add.f32.msk $0xffff, v2  }
0xdf: {  	v4 =	vld [tilespmem:s19+$0x80];
	_ =	sdelay $0x4  }
0xe0: {  	v57 =	vand.u32 $0xFFFFFF80, v4  }
0xe1: {  	v4 =	vand.u32 $0x7F, v4;
	v5 =	vadd.s32 v3, v57  }
0xe2: {  	v4 =	vor.u32 v4, v5;
	_ =	sdelay $0x4  }
0xe3: {  	[tilespmem:v4+s10+$0x0] =	vst.idx.add.f32.msk $0xffff, v2  }
0xe4: {  	v4 =	vld [tilespmem:s19+$0x100];
	_ =	sdelay $0x4  }
0xe5: {  	v58 =	vand.u32 $0xFFFFFF80, v4  }
0xe6: {  	v4 =	vand.u32 $0x7F, v4;
	v5 =	vadd.s32 v3, v58  }
0xe7: {  	v4 =	vor.u32 v4, v5;
	_ =	sdelay $0x4  }
0xe8: {  	[tilespmem:v4+s10+$0x0] =	vst.idx.add.f32.msk $0xffff, v2  }
0xe9: {  	v4 =	vld [tilespmem:s19+$0x180];
	_ =	sdelay $0x4  }
0xea: {  	v59 =	vand.u32 $0xFFFFFF80, v4  }
0xeb: {  	v4 =	vand.u32 $0x7F, v4;
	v5 =	vadd.s32 v3, v59  }
0xec: {  	v4 =	vor.u32 v4, v5;
	_ =	sdelay $0x4  }
0xed: {  	[tilespmem:v4+s10+$0x0] =	vst.idx.add.f32.msk $0xffff, v2  }
0xee: {  	v4 =	vld [tilespmem:s19+$0x200];
	_ =	sdelay $0x4  }
0xef: {  	v60 =	vand.u32 $0xFFFFFF80, v4  }
0xf0: {  	v4 =	vand.u32 $0x7F, v4;
	v5 =	vadd.s32 v3, v60  }
0xf1: {  	v4 =	vor.u32 v4, v5;
	_ =	sdelay $0x4  }
0xf2: {  	[tilespmem:v4+s10+$0x0] =	vst.idx.add.f32.msk $0xffff, v2  }
0xf3: {  	v4 =	vld [tilespmem:s19+$0x280];
	_ =	sdelay $0x4  }
0xf4: {  	v61 =	vand.u32 $0xFFFFFF80, v4  }
0xf5: {  	v4 =	vand.u32 $0x7F, v4;
	v5 =	vadd.s32 v3, v61  }
0xf6: {  	v4 =	vor.u32 v4, v5;
	_ =	sdelay $0x4  }
0xf7: {  	[tilespmem:v4+s10+$0x0] =	vst.idx.add.f32.msk $0xffff, v2  }
0xf8: {  	v4 =	vld [tilespmem:s19+$0x300];
	_ =	sdelay $0x4  }
0xf9: {  	v62 =	vand.u32 $0xFFFFFF80, v4  }
0xfa: {  	v4 =	vand.u32 $0x7F, v4;
	v5 =	vadd.s32 v3, v62  }
0xfb: {  	v4 =	vor.u32 v4, v5;
	_ =	sdelay $0x3  }
0xfc: {  	s31 =	sor.u32 s17, s18  }
0xfd: {  	s19 =	sor.u32 $0x380, s31;
	[tilespmem:v4+s10+$0x0] =	vst.idx.add.f32.msk $0xffff, v2  }
0xfe: {  	v4 =	vld [tilespmem:s19+$0x0];
	_ =	sdelay $0x4  }
0xff: {  	v63 =	vand.u32 $0xFFFFFF80, v4  }
0x100: {  	v4 =	vand.u32 $0x7F, v4;
	v3 =	vadd.s32 v3, v63  }
0x101: {  	p0 =	sne.s32 s16, $0x1C0;
	v3 =	vor.u32 v4, v3  }
.Ltmp3:
0x102: {  	_ = 	snop;
	(pc) =	sbr.rel @p0 .LBB2_8-.Ltmp3, $2  }
0x103: {  	_ =	sdelay $0x2  }
0x104: {  	s17 =	sadd.s32 $0x80, s17;
	s18 =	sadd.s32 $0x10, s18;
	s16 =	sadd.s32 $0x40, s16;
	[tilespmem:v3+s10+$0x0] =	vst.idx.add.f32.msk $0xffff, v2  }
0x105: {  	[hbm4b:s7+s2] =	stream.linear.scatter [tilespmem:s13], [sflag:$0x1], $0x4000, $0x38;
	[tilespmem:$0x11000] =	vst v63  }
0x106: {  	_ =	swait.ge [sflag:s14], $0x4000  }
0x107: {  	[sflag:s14] =	ssyncset.done $0x0  }
0x108: {  	[sflag:s14] =	ssyncadd.s32 $0xFFFFC000  }
0x109: {  	_ =	swait.ge [sflag:s14], $0x4000  }
0x10a: {  	[sflag:s14] =	ssyncset.done $0x0  }
0x10b: {  	s15 =	sadd.s32 $0x1, s15;
	[sflag:s14] =	ssyncadd.s32 $0xFFFFC000  }
0x10c: {  	p0 =	sne.s32 s15, s8;
	_ =	swait.ge [sflag:s14], $0x4000  }
.Ltmp4:
0x10d: {  	[sflag:s14] =	ssyncset.done $0x0;
	(pc) =	sbr.rel @p0 .LBB2_1-.Ltmp4, $4  }
0x10e: {  	[sflag:s14] =	ssyncadd.s32 $0xFFFFC000  }
0x10f: {  	_ =	swait.ge [sflag:s14], $0x4000  }
0x110: {  	[sflag:s14] =	ssyncset.done $0x0  }
0x111: {  	[sflag:s14] =	ssyncadd.s32 $0xFFFFC000  }
0x112: {  	_ =	sfence.sel $0x180000  }
0x113: {  	[bflag:$0x0] =	sbarrier.arrive $0xFFFF  }
0x114: {  	p0 =	sne.s32 s1, $0x0;
	_ =	strace $0x90000047  }
0x115: {  	s0 =	sadd.s32 @!p0 $0x100000, s0;
	[bflag:$0x2] =	sbarrier.arrive $0xFFFF  }
0x116: {  	[sflag:s0] =	ssyncadd.tile.s32 @!p0 $0x1;
	_ =	shalt  }
.Lfunc_end2:
_tile_overlayer_lowered:
.L_overlay_start_2:
0x117: {  	(tag) =	ssettag $0x2  }
0x118: {  	s0 =	rddreg [dreg:$0x0];
	s2 =	stileid.u32  }
0x119: {  	s1 =	rddreg [dreg:$0x1];
	p0 =	sne.s32 s2, $0x0  }
0x11a: {  	s3 =	rddreg [dreg:$0x2];
	[bflag:$0x3] =	sbarrier.arrive $0xFFFF;
	s2 =	simm.s32 @!p0 $0x1C02  }
0x11b: {  	[timem:s3], [sflag:s2] =	dma.local @!p0 [hbm:s0], s1  }
0x11c: {  	s0 =	simm.s32 @!p0 $0x2  }
0x11d: {  	_ =	swait.ge @!p0 [sflag:s0], s1  }
0x11e: {  	s1 =	ssub.s32 @!p0 $0x0, s1;
	[sflag:s0] =	ssyncset.done @!p0 $0x0  }
0x11f: {  	[sflag:s0] =	ssyncadd.s32 @!p0 s1  }
0x120: {  	[bflag:$0x3] =	sbarrier.arrive $0xFFFF  }
0x121: {  	_ =	shalt  }

</sc_bundles>
